<compile_context>
chip_gen: v7x
topology: tpu7x:2x2x1
jax: 0.10.2.dev20260603
libtpu: 0.0.44.dev20260713+nightly
codegen_flags: <defaults>
</compile_context>

<pallas_src>
import functools

import jax
import jax.numpy as jnp
from jax import lax
from jax.experimental import pallas as pl
from jax.experimental.pallas import tpu as pltpu
from jax.experimental.pallas import tpu_sc as plsc

N_ATOMS = 500000
NUM_GRAPHS = 8192
MAX_Z = 89

_NW = 16
_SUBP = 977
_PHASE = _SUBP * 16
_CHUNK = 2 * _PHASE
_UNROLL = 8
_OUTER = _SUBP // _UNROLL
_TAIL = _SUBP - _OUTER * _UNROLL
_LAST_REAL = N_ATOMS - (_NW - 1) * _CHUNK
_B_REAL = _LAST_REAL - _PHASE
_G_PAD = NUM_GRAPHS + 16
_STRIPE = NUM_GRAPHS // _NW


def _sc_body(prop_hbm, nt_hbm, sg_hbm, out_hbm,
             prop_v, nt_v, sg_v, acc_v, tmp_v, stripe_v, shared, sem):
    sid = lax.axis_index("s")
    base_a = sid * _PHASE
    base_b = (sid + _NW) * _PHASE
    last = _NW - 1

    cpa0 = pltpu.async_copy(nt_hbm.at[pl.ds(base_a, _PHASE)],
                            nt_v.at[pl.ds(0, _PHASE)], sem)
    cpa1 = pltpu.async_copy(sg_hbm.at[pl.ds(base_a, _PHASE)],
                            sg_v.at[pl.ds(0, _PHASE)], sem)

    b_handles = []

    @pl.when(sid != last)
    def _b_full():
        cp0 = pltpu.async_copy(nt_hbm.at[pl.ds(base_b, _PHASE)],
                               nt_v.at[pl.ds(_PHASE, _PHASE)], sem)
        cp1 = pltpu.async_copy(sg_hbm.at[pl.ds(base_b, _PHASE)],
                               sg_v.at[pl.ds(_PHASE, _PHASE)], sem)
        b_handles.append((cp0, cp1))

    @pl.when(sid == last)
    def _b_tail():
        cp0 = pltpu.async_copy(nt_hbm.at[pl.ds(base_b, _B_REAL)],
                               nt_v.at[pl.ds(_PHASE, _B_REAL)], sem)
        cp1 = pltpu.async_copy(sg_hbm.at[pl.ds(base_b, _B_REAL)],
                               sg_v.at[pl.ds(_PHASE, _B_REAL)], sem)
        npad = _PHASE - _B_REAL
        dead = jnp.full((16,), NUM_GRAPHS, jnp.int32)
        nul = jnp.zeros((16,), jnp.int32)

        def fill(i, c):
            sg_v[pl.ds(_PHASE + _B_REAL + i * 16, 16)] = dead
            nt_v[pl.ds(_PHASE + _B_REAL + i * 16, 16)] = nul
            return c
        lax.fori_loop(0, npad // 16, fill, 0)
        b_handles.append((cp0, cp1))

    pltpu.sync_copy(prop_hbm, prop_v)
    zeros = jnp.zeros((16,), jnp.float32)

    def zero_body(i, c):
        acc_v[pl.ds(i * 16, 16)] = zeros
        return c
    lax.fori_loop(0, _G_PAD // 16, zero_body, 0)

    lane_ids = lax.iota(jnp.int32, 16)

    def run_phase(off):
        lane_base = lane_ids * _SUBP + off

        def step_chain(js, run, cur):
            nts = [plsc.load_gather(nt_v, [lane_base + j]) for j in js]
            sgs = [plsc.load_gather(sg_v, [lane_base + j]) for j in js]
            vals = [plsc.load_gather(prop_v, [nt]) for nt in nts]
            for sg, val in zip(sgs, vals):
                m = jnp.not_equal(sg, cur)
                plsc.addupdate_scatter(acc_v, [cur], run, mask=m)
                run = jnp.where(m, val, run + val)
                cur = sg
            return run, cur

        def body(j, carry):
            run, cur = carry
            j0 = j * _UNROLL
            return step_chain([j0 + u for u in range(_UNROLL)], run, cur)

        run0 = zeros
        cur0 = jnp.full((16,), NUM_GRAPHS, jnp.int32)
        run, cur = lax.fori_loop(0, _OUTER, body, (run0, cur0))
        run, cur = step_chain(
            [_OUTER * _UNROLL + t for t in range(_TAIL)], run, cur)

        for l in range(16):
            plsc.addupdate_scatter(acc_v, [cur], run,
                                   mask=jnp.equal(lane_ids, l))

    cpa0.wait()
    cpa1.wait()
    run_phase(0)

    @pl.when(sid != last)
    def _wait_b_full():
        cp0, cp1 = b_handles[0]
        cp0.wait()
        cp1.wait()

    @pl.when(sid == last)
    def _wait_b_tail():
        cp0, cp1 = b_handles[1]
        cp0.wait()
        cp1.wait()

    run_phase(_PHASE)

    pltpu.sync_copy(acc_v.at[pl.ds(0, NUM_GRAPHS)], shared.at[sid])
    plsc.subcore_barrier()

    sbase = sid * _STRIPE
    pltpu.sync_copy(shared.at[:, pl.ds(sbase, _STRIPE)], tmp_v)

    def zs(i, c):
        stripe_v[pl.ds(i * 16, 16)] = zeros
        return c
    lax.fori_loop(0, _STRIPE // 16, zs, 0)

    for s in range(_NW):
        def addb(i, c):
            stripe_v[pl.ds(i * 16, 16)] = (
                stripe_v[pl.ds(i * 16, 16)] + tmp_v[s, pl.ds(i * 16, 16)])
            return c
        lax.fori_loop(0, _STRIPE // 16, addb, 0)

    pltpu.sync_copy(stripe_v, out_hbm.at[pl.ds(sbase, _STRIPE)])


_mesh = plsc.VectorSubcoreMesh(
    core_axis_name="c", subcore_axis_name="s", num_cores=1)

_sc_kernel = functools.partial(
    pl.kernel,
    out_type=jax.ShapeDtypeStruct((NUM_GRAPHS,), jnp.float32),
    mesh=_mesh,
    compiler_params=pltpu.CompilerParams(needs_layout_passes=False),
    scratch_types=[
        pltpu.VMEM((MAX_Z,), jnp.float32),
        pltpu.VMEM((_CHUNK,), jnp.int32),
        pltpu.VMEM((_CHUNK,), jnp.int32),
        pltpu.VMEM((_G_PAD,), jnp.float32),
        pltpu.VMEM((_NW, _STRIPE), jnp.float32),
        pltpu.VMEM((_STRIPE,), jnp.float32),
        pltpu.VMEM_SHARED((_NW, NUM_GRAPHS), jnp.float32),
        pltpu.SemaphoreType.DMA,
    ],
)(_sc_body)


def kernel(property_offset, node_type, segment_ids):
    return _sc_kernel(property_offset,
                      node_type.astype(jnp.int32),
                      segment_ids.astype(jnp.int32))

# --- scband reference (transcript-rebuilt; emitter-appended) ---
"""Pipeline reference for scband-atom-ref-88330297410235 (READ-ONLY COPY).

The authoritative reference and input builder live on the scoring server;
editing this copy changes nothing except your own understanding.
"""

import jax, jax.numpy as jnp
import numpy as np

N_ATOMS = 500000
NUM_GRAPHS = 8192
MAX_Z = 89


def setup_inputs(seed: int = 0) -> dict:
    key = jax.random.key(seed)
    k1, k2, k3 = jax.random.split(key, 3)
    node_type = jax.random.randint(k1, (N_ATOMS,), 0, MAX_Z)
    segment_ids = jnp.sort(jax.random.randint(k2, (N_ATOMS,), 0, NUM_GRAPHS))
    # learned buffer: per-element property offset (1-D case of AtomRef)
    property_offset = jax.random.normal(k3, (MAX_Z,), dtype=jnp.float32)
    return {
        "property_offset": property_offset,
        "node_type": node_type,
        "segment_ids": segment_ids,
    }


def reference(property_offset, node_type, segment_ids):
    # one_hot = self.onehot[g.ndata['node_type']]
    max_z = property_offset.shape[-1]
    onehot = jnp.eye(max_z, dtype=jnp.float32)
    one_hot = jnp.take(onehot, node_type, axis=0)  # [N, max_z] gather
    # property_offset_batched = property_offset.repeat(num_nodes, 1); offset = batched * one_hot
    offset = property_offset[None, :] * one_hot  # [N, max_z]
    # g.ndata['atomic_offset'] = sum(offset, 1)
    atomic_offset = jnp.sum(offset, axis=1)  # [N]
    # dgl.readout_nodes(g, 'atomic_offset') == per-graph sum over nodes
    offset_batched = jax.ops.segment_sum(atomic_offset, segment_ids, num_segments=NUM_GRAPHS)
    return offset_batched

if __name__ == "__main__":
    import jax
    _d = setup_inputs()
    print(jax.jit(kernel)(*tuple(_d.values())))

</pallas_src>

<mosaic_0001>
#map = affine_map<(d0, d1) -> (0)>
module attributes {stable_mosaic.version = 14 : i64} {
  func.func @_sc_body(%arg0: i32, %arg1: i32, %arg2: memref<89xf32, #tpu.memory_space<hbm>>, %arg3: memref<500000xi32, #tpu.memory_space<hbm>>, %arg4: memref<500000xi32, #tpu.memory_space<hbm>>, %arg5: memref<8192xf32, #tpu.memory_space<hbm>>, %arg6: memref<89xf32, #tpu.memory_space<vmem>>, %arg7: memref<31264xi32, #tpu.memory_space<vmem>>, %arg8: memref<31264xi32, #tpu.memory_space<vmem>>, %arg9: memref<8208xf32, #tpu.memory_space<vmem>>, %arg10: memref<16x512xf32, #tpu.memory_space<vmem>>, %arg11: memref<512xf32, #tpu.memory_space<vmem>>, %arg12: memref<16x8192xf32, #tpu.memory_space<vmem_shared>>, %arg13: memref<!tpu.dma_semaphore, #tpu.memory_space<semaphore_mem>>) attributes {dimension_semantics = [#tpu.dimension_semantics<core_parallel>, #tpu.dimension_semantics<subcore_parallel>], iteration_bounds = array<i64: 1, 16>, scalar_prefetch = 0 : i64, scratch_operands = 8 : i64, tpu.core_type = #tpu.core_type<sc_vector_subcore>, window_params = [{transform_indices = #map}, {transform_indices = #map}, {transform_indices = #map}, {transform_indices = #map}]} {
    %mul3A = arith.constant 15632 : i32
    %mul3A_0 = arith.muli %arg1, %mul3A : i32
    %add3A = arith.constant 16 : i32
    %add3A_1 = arith.addi %arg1, %add3A : i32
    %mul3A_2 = arith.constant 15632 : i32
    %mul3A_3 = arith.muli %add3A_1, %mul3A_2 : i32
    %dma_start3A = arith.constant 0 : i32
    %dma_start3A_4 = tpu.memref_slice %arg7[%dma_start3A] : memref<31264xi32, #tpu.memory_space<vmem>> -> memref<15632xi32, #tpu.memory_space<vmem>>
    %dma_start3A_5 = tpu.memref_slice %arg3[%mul3A_0] : memref<500000xi32, #tpu.memory_space<hbm>> -> memref<15632xi32, #tpu.memory_space<hbm>>
    %dma_start3A_6 = arith.constant 0 : i32
    %dma_start3A_7 = tpu.memref_slice %arg7[%dma_start3A_6] : memref<31264xi32, #tpu.memory_space<vmem>> -> memref<15632xi32, #tpu.memory_space<vmem>>
    %dma_start3A_8 = tpu.memref_slice %arg3[%mul3A_0] : memref<500000xi32, #tpu.memory_space<hbm>> -> memref<15632xi32, #tpu.memory_space<hbm>>
    tpu.enqueue_dma source(%dma_start3A_8 : memref<15632xi32, #tpu.memory_space<hbm>>) target(%dma_start3A_7 : memref<15632xi32, #tpu.memory_space<vmem>>) target_semaphore(%arg13 : memref<!tpu.dma_semaphore, #tpu.memory_space<semaphore_mem>>)
    %dma_start3A_9 = arith.constant 0 : i32
    %dma_start3A_10 = tpu.memref_slice %arg8[%dma_start3A_9] : memref<31264xi32, #tpu.memory_space<vmem>> -> memref<15632xi32, #tpu.memory_space<vmem>>
    %dma_start3A_11 = tpu.memref_slice %arg4[%mul3A_0] : memref<500000xi32, #tpu.memory_space<hbm>> -> memref<15632xi32, #tpu.memory_space<hbm>>
    %dma_start3A_12 = arith.constant 0 : i32
    %dma_start3A_13 = tpu.memref_slice %arg8[%dma_start3A_12] : memref<31264xi32, #tpu.memory_space<vmem>> -> memref<15632xi32, #tpu.memory_space<vmem>>
    %dma_start3A_14 = tpu.memref_slice %arg4[%mul3A_0] : memref<500000xi32, #tpu.memory_space<hbm>> -> memref<15632xi32, #tpu.memory_space<hbm>>
    tpu.enqueue_dma source(%dma_start3A_14 : memref<15632xi32, #tpu.memory_space<hbm>>) target(%dma_start3A_13 : memref<15632xi32, #tpu.memory_space<vmem>>) target_semaphore(%arg13 : memref<!tpu.dma_semaphore, #tpu.memory_space<semaphore_mem>>)
    %ne3A = arith.constant 15 : i32
    %ne3A_15 = arith.cmpi ne, %arg1, %ne3A : i32
    %convert_element_type3A = arith.extui %ne3A_15 : i1 to i32
    %cond3A = arith.constant 0 : i32
    %cond3A_16 = arith.cmpi ne, %convert_element_type3A, %cond3A : i32
    scf.if %cond3A_16 {
      %dma_start3A_298 = arith.constant 15632 : i32
      %dma_start3A_299 = tpu.memref_slice %arg7[%dma_start3A_298] : memref<31264xi32, #tpu.memory_space<vmem>> -> memref<15632xi32, #tpu.memory_space<vmem>>
      %dma_start3A_300 = tpu.memref_slice %arg3[%mul3A_3] : memref<500000xi32, #tpu.memory_space<hbm>> -> memref<15632xi32, #tpu.memory_space<hbm>>
      %dma_start3A_301 = arith.constant 15632 : i32
      %dma_start3A_302 = tpu.memref_slice %arg7[%dma_start3A_301] : memref<31264xi32, #tpu.memory_space<vmem>> -> memref<15632xi32, #tpu.memory_space<vmem>>
      %dma_start3A_303 = tpu.memref_slice %arg3[%mul3A_3] : memref<500000xi32, #tpu.memory_space<hbm>> -> memref<15632xi32, #tpu.memory_space<hbm>>
      tpu.enqueue_dma source(%dma_start3A_303 : memref<15632xi32, #tpu.memory_space<hbm>>) target(%dma_start3A_302 : memref<15632xi32, #tpu.memory_space<vmem>>) target_semaphore(%arg13 : memref<!tpu.dma_semaphore, #tpu.memory_space<semaphore_mem>>)
      %dma_start3A_304 = arith.constant 15632 : i32
      %dma_start3A_305 = tpu.memref_slice %arg8[%dma_start3A_304] : memref<31264xi32, #tpu.memory_space<vmem>> -> memref<15632xi32, #tpu.memory_space<vmem>>
      %dma_start3A_306 = tpu.memref_slice %arg4[%mul3A_3] : memref<500000xi32, #tpu.memory_space<hbm>> -> memref<15632xi32, #tpu.memory_space<hbm>>
      %dma_start3A_307 = arith.constant 15632 : i32
      %dma_start3A_308 = tpu.memref_slice %arg8[%dma_start3A_307] : memref<31264xi32, #tpu.memory_space<vmem>> -> memref<15632xi32, #tpu.memory_space<vmem>>
      %dma_start3A_309 = tpu.memref_slice %arg4[%mul3A_3] : memref<500000xi32, #tpu.memory_space<hbm>> -> memref<15632xi32, #tpu.memory_space<hbm>>
      tpu.enqueue_dma source(%dma_start3A_309 : memref<15632xi32, #tpu.memory_space<hbm>>) target(%dma_start3A_308 : memref<15632xi32, #tpu.memory_space<vmem>>) target_semaphore(%arg13 : memref<!tpu.dma_semaphore, #tpu.memory_space<semaphore_mem>>)
    } else {
    }
    %eq3A = arith.constant 15 : i32
    %eq3A_17 = arith.cmpi eq, %arg1, %eq3A : i32
    %convert_element_type3A_18 = arith.extui %eq3A_17 : i1 to i32
    %cond3A_19 = arith.constant 0 : i32
    %cond3A_20 = arith.cmpi ne, %convert_element_type3A_18, %cond3A_19 : i32
    scf.if %cond3A_20 {
      %dma_start3A_298 = arith.constant 15632 : i32
      %dma_start3A_299 = tpu.memref_slice %arg7[%dma_start3A_298] : memref<31264xi32, #tpu.memory_space<vmem>> -> memref<15408xi32, #tpu.memory_space<vmem>>
      %dma_start3A_300 = tpu.memref_slice %arg3[%mul3A_3] : memref<500000xi32, #tpu.memory_space<hbm>> -> memref<15408xi32, #tpu.memory_space<hbm>>
      %dma_start3A_301 = arith.constant 15632 : i32
      %dma_start3A_302 = tpu.memref_slice %arg7[%dma_start3A_301] : memref<31264xi32, #tpu.memory_space<vmem>> -> memref<15408xi32, #tpu.memory_space<vmem>>
      %dma_start3A_303 = tpu.memref_slice %arg3[%mul3A_3] : memref<500000xi32, #tpu.memory_space<hbm>> -> memref<15408xi32, #tpu.memory_space<hbm>>
      tpu.enqueue_dma source(%dma_start3A_303 : memref<15408xi32, #tpu.memory_space<hbm>>) target(%dma_start3A_302 : memref<15408xi32, #tpu.memory_space<vmem>>) target_semaphore(%arg13 : memref<!tpu.dma_semaphore, #tpu.memory_space<semaphore_mem>>)
      %dma_start3A_304 = arith.constant 15632 : i32
      %dma_start3A_305 = tpu.memref_slice %arg8[%dma_start3A_304] : memref<31264xi32, #tpu.memory_space<vmem>> -> memref<15408xi32, #tpu.memory_space<vmem>>
      %dma_start3A_306 = tpu.memref_slice %arg4[%mul3A_3] : memref<500000xi32, #tpu.memory_space<hbm>> -> memref<15408xi32, #tpu.memory_space<hbm>>
      %dma_start3A_307 = arith.constant 15632 : i32
      %dma_start3A_308 = tpu.memref_slice %arg8[%dma_start3A_307] : memref<31264xi32, #tpu.memory_space<vmem>> -> memref<15408xi32, #tpu.memory_space<vmem>>
      %dma_start3A_309 = tpu.memref_slice %arg4[%mul3A_3] : memref<500000xi32, #tpu.memory_space<hbm>> -> memref<15408xi32, #tpu.memory_space<hbm>>
      tpu.enqueue_dma source(%dma_start3A_309 : memref<15408xi32, #tpu.memory_space<hbm>>) target(%dma_start3A_308 : memref<15408xi32, #tpu.memory_space<vmem>>) target_semaphore(%arg13 : memref<!tpu.dma_semaphore, #tpu.memory_space<semaphore_mem>>)
      %broadcast_in_dim3A_310 = arith.constant 8192 : i32
      %broadcast_in_dim3A_311 = vector.broadcast %broadcast_in_dim3A_310 : i32 to vector<16xi32>
      %broadcast_in_dim3A_312 = arith.constant 0 : i32
      %broadcast_in_dim3A_313 = vector.broadcast %broadcast_in_dim3A_312 : i32 to vector<16xi32>
      %scan3A_314 = arith.constant 0 : i32
      %scan3A_315 = arith.constant 0 : i32
      %scan3A_316 = arith.constant 14 : i32
      %scan3A_317 = arith.addi %scan3A_315, %scan3A_316 : i32
      %scan3A_318 = arith.constant 1 : i32
      scf.for %scan3A_320 = %scan3A_315 to %scan3A_317 step %scan3A_318  : i32 {
        %mul3A_321 = arith.constant 16 : i32
        %mul3A_322 = arith.muli %scan3A_320, %mul3A_321 : i32
        %add3A_323 = arith.constant 31040 : i32
        %add3A_324 = arith.addi %add3A_323, %mul3A_322 : i32
        %swap3A = arith.index_cast %add3A_324 : i32 to index
        %swap3A_325 = tpu.vector_load %arg8[%swap3A] {strides = array<i32>} : memref<31264xi32, #tpu.memory_space<vmem>>, vector<16xi32>,
        tpu.vector_store %arg8[%swap3A], %broadcast_in_dim3A_311 {strides = array<i32>} : memref<31264xi32, #tpu.memory_space<vmem>>, vector<16xi32>,
        %mul3A_326 = arith.constant 16 : i32
        %mul3A_327 = arith.muli %scan3A_320, %mul3A_326 : i32
        %add3A_328 = arith.constant 31040 : i32
        %add3A_329 = arith.addi %add3A_328, %mul3A_327 : i32
        %swap3A_330 = arith.index_cast %add3A_329 : i32 to index
        %swap3A_331 = tpu.vector_load %arg7[%swap3A_330] {strides = array<i32>} : memref<31264xi32, #tpu.memory_space<vmem>>, vector<16xi32>,
        tpu.vector_store %arg7[%swap3A_330], %broadcast_in_dim3A_313 {strides = array<i32>} : memref<31264xi32, #tpu.memory_space<vmem>>, vector<16xi32>,
      }
      %scan3A_319 = arith.constant 14 : i32
    } else {
    }
    "tpu.region"() ({
      %run_scoped3A = tpu.sem_alloc : memref<!tpu.dma_semaphore, #tpu.memory_space<semaphore_mem>>
      tpu.enqueue_dma source(%arg2 : memref<89xf32, #tpu.memory_space<hbm>>) target(%arg6 : memref<89xf32, #tpu.memory_space<vmem>>) target_semaphore(%run_scoped3A : memref<!tpu.dma_semaphore, #tpu.memory_space<semaphore_mem>>)
      tpu.wait_dma2 semaphore(%run_scoped3A : memref<!tpu.dma_semaphore, #tpu.memory_space<semaphore_mem>>) src(%arg2 : memref<89xf32, #tpu.memory_space<hbm>>) dst(%arg6 : memref<89xf32, #tpu.memory_space<vmem>>)
      tpu.yield
    }) : () -> ()
    %broadcast_in_dim3A = arith.constant 0.000000e+00 : f32
    %broadcast_in_dim3A_21 = vector.broadcast %broadcast_in_dim3A : f32 to vector<16xf32>
    %scan3A = arith.constant 0 : i32
    %scan3A_22 = arith.constant 0 : i32
    %scan3A_23 = arith.constant 513 : i32
    %scan3A_24 = arith.addi %scan3A_22, %scan3A_23 : i32
    %scan3A_25 = arith.constant 1 : i32
    scf.for %scan3A_298 = %scan3A_22 to %scan3A_24 step %scan3A_25  : i32 {
      %mul3A_299 = arith.constant 16 : i32
      %mul3A_300 = arith.muli %scan3A_298, %mul3A_299 : i32
      %swap3A = arith.index_cast %mul3A_300 : i32 to index
      %swap3A_301 = tpu.vector_load %arg9[%swap3A] {strides = array<i32>} : memref<8208xf32, #tpu.memory_space<vmem>>, vector<16xf32>,
      tpu.vector_store %arg9[%swap3A], %broadcast_in_dim3A_21 {strides = array<i32>} : memref<8208xf32, #tpu.memory_space<vmem>>, vector<16xf32>,
    }
    %scan3A_26 = arith.constant 513 : i32
    %iota3A = tpu.iota {dimensions = array<i32: 0>} : vector<16xi32>
    %dma_wait3A = arith.constant 0 : i32
    %dma_wait3A_27 = tpu.memref_slice %arg7[%dma_wait3A] : memref<31264xi32, #tpu.memory_space<vmem>> -> memref<15632xi32, #tpu.memory_space<vmem>>
    %dma_wait3A_28 = tpu.memref_slice %arg3[%mul3A_0] : memref<500000xi32, #tpu.memory_space<hbm>> -> memref<15632xi32, #tpu.memory_space<hbm>>
    %dma_wait3A_29 = arith.constant 0 : i32
    %dma_wait3A_30 = tpu.memref_slice %arg7[%dma_wait3A_29] : memref<31264xi32, #tpu.memory_space<vmem>> -> memref<15632xi32, #tpu.memory_space<vmem>>
    %dma_wait3A_31 = tpu.memref_slice %arg3[%mul3A_0] : memref<500000xi32, #tpu.memory_space<hbm>> -> memref<15632xi32, #tpu.memory_space<hbm>>
    tpu.wait_dma2 semaphore(%arg13 : memref<!tpu.dma_semaphore, #tpu.memory_space<semaphore_mem>>) src(%dma_wait3A_31 : memref<15632xi32, #tpu.memory_space<hbm>>) dst(%dma_wait3A_30 : memref<15632xi32, #tpu.memory_space<vmem>>)
    %dma_wait3A_32 = arith.constant 0 : i32
    %dma_wait3A_33 = tpu.memref_slice %arg8[%dma_wait3A_32] : memref<31264xi32, #tpu.memory_space<vmem>> -> memref<15632xi32, #tpu.memory_space<vmem>>
    %dma_wait3A_34 = tpu.memref_slice %arg4[%mul3A_0] : memref<500000xi32, #tpu.memory_space<hbm>> -> memref<15632xi32, #tpu.memory_space<hbm>>
    %dma_wait3A_35 = arith.constant 0 : i32
    %dma_wait3A_36 = tpu.memref_slice %arg8[%dma_wait3A_35] : memref<31264xi32, #tpu.memory_space<vmem>> -> memref<15632xi32, #tpu.memory_space<vmem>>
    %dma_wait3A_37 = tpu.memref_slice %arg4[%mul3A_0] : memref<500000xi32, #tpu.memory_space<hbm>> -> memref<15632xi32, #tpu.memory_space<hbm>>
    tpu.wait_dma2 semaphore(%arg13 : memref<!tpu.dma_semaphore, #tpu.memory_space<semaphore_mem>>) src(%dma_wait3A_37 : memref<15632xi32, #tpu.memory_space<hbm>>) dst(%dma_wait3A_36 : memref<15632xi32, #tpu.memory_space<vmem>>)
    %mul3A_38 = arith.constant 977 : i32
    %mul3A_39 = vector.broadcast %mul3A_38 : i32 to vector<16xi32>
    %mul3A_40 = arith.muli %iota3A, %mul3A_39 : vector<16xi32>
    %add3A_41 = arith.constant 0 : i32
    %add3A_42 = vector.broadcast %add3A_41 : i32 to vector<16xi32>
    %add3A_43 = arith.addi %mul3A_40, %add3A_42 : vector<16xi32>
    %broadcast_in_dim3A_44 = arith.constant 8192 : i32
    %broadcast_in_dim3A_45 = vector.broadcast %broadcast_in_dim3A_44 : i32 to vector<16xi32>
    %scan3A_46 = arith.constant 0 : i32
    %scan3A_47 = arith.constant 122 : i32
    %scan3A_48 = arith.addi %scan3A_46, %scan3A_47 : i32
    %scan3A_49 = arith.constant 1 : i32
    %scan3A_50:2 = scf.for %scan3A_298 = %scan3A_46 to %scan3A_48 step %scan3A_49 iter_args(%scan3A_299 = %broadcast_in_dim3A_21, %scan3A_300 = %broadcast_in_dim3A_45) -> (vector<16xf32>, vector<16xi32>)  : i32 {
      %mul3A_301 = arith.constant 8 : i32
      %mul3A_302 = arith.muli %scan3A_298, %mul3A_301 : i32
      %add3A_303 = arith.constant 0 : i32
      %add3A_304 = arith.addi %mul3A_302, %add3A_303 : i32
      %add3A_305 = arith.constant 1 : i32
      %add3A_306 = arith.addi %mul3A_302, %add3A_305 : i32
      %add3A_307 = arith.constant 2 : i32
      %add3A_308 = arith.addi %mul3A_302, %add3A_307 : i32
      %add3A_309 = arith.constant 3 : i32
      %add3A_310 = arith.addi %mul3A_302, %add3A_309 : i32
      %add3A_311 = arith.constant 4 : i32
      %add3A_312 = arith.addi %mul3A_302, %add3A_311 : i32
      %add3A_313 = arith.constant 5 : i32
      %add3A_314 = arith.addi %mul3A_302, %add3A_313 : i32
      %add3A_315 = arith.constant 6 : i32
      %add3A_316 = arith.addi %mul3A_302, %add3A_315 : i32
      %add3A_317 = arith.constant 7 : i32
      %add3A_318 = arith.addi %mul3A_302, %add3A_317 : i32
      %add3A_319 = vector.broadcast %add3A_304 : i32 to vector<16xi32>
      %add3A_320 = arith.addi %add3A_43, %add3A_319 : vector<16xi32>
      %gather3A_321 = tpu.vector_load_idx %arg7[%add3A_320] : memref<31264xi32, #tpu.memory_space<vmem>>[vector<16xi32>], vector<16xi32>,
      %add3A_322 = vector.broadcast %add3A_306 : i32 to vector<16xi32>
      %add3A_323 = arith.addi %add3A_43, %add3A_322 : vector<16xi32>
      %gather3A_324 = tpu.vector_load_idx %arg7[%add3A_323] : memref<31264xi32, #tpu.memory_space<vmem>>[vector<16xi32>], vector<16xi32>,
      %add3A_325 = vector.broadcast %add3A_308 : i32 to vector<16xi32>
      %add3A_326 = arith.addi %add3A_43, %add3A_325 : vector<16xi32>
      %gather3A_327 = tpu.vector_load_idx %arg7[%add3A_326] : memref<31264xi32, #tpu.memory_space<vmem>>[vector<16xi32>], vector<16xi32>,
      %add3A_328 = vector.broadcast %add3A_310 : i32 to vector<16xi32>
      %add3A_329 = arith.addi %add3A_43, %add3A_328 : vector<16xi32>
      %gather3A_330 = tpu.vector_load_idx %arg7[%add3A_329] : memref<31264xi32, #tpu.memory_space<vmem>>[vector<16xi32>], vector<16xi32>,
      %add3A_331 = vector.broadcast %add3A_312 : i32 to vector<16xi32>
      %add3A_332 = arith.addi %add3A_43, %add3A_331 : vector<16xi32>
      %gather3A_333 = tpu.vector_load_idx %arg7[%add3A_332] : memref<31264xi32, #tpu.memory_space<vmem>>[vector<16xi32>], vector<16xi32>,
      %add3A_334 = vector.broadcast %add3A_314 : i32 to vector<16xi32>
      %add3A_335 = arith.addi %add3A_43, %add3A_334 : vector<16xi32>
      %gather3A_336 = tpu.vector_load_idx %arg7[%add3A_335] : memref<31264xi32, #tpu.memory_space<vmem>>[vector<16xi32>], vector<16xi32>,
      %add3A_337 = vector.broadcast %add3A_316 : i32 to vector<16xi32>
      %add3A_338 = arith.addi %add3A_43, %add3A_337 : vector<16xi32>
      %gather3A_339 = tpu.vector_load_idx %arg7[%add3A_338] : memref<31264xi32, #tpu.memory_space<vmem>>[vector<16xi32>], vector<16xi32>,
      %add3A_340 = vector.broadcast %add3A_318 : i32 to vector<16xi32>
      %add3A_341 = arith.addi %add3A_43, %add3A_340 : vector<16xi32>
      %gather3A_342 = tpu.vector_load_idx %arg7[%add3A_341] : memref<31264xi32, #tpu.memory_space<vmem>>[vector<16xi32>], vector<16xi32>,
      %add3A_343 = vector.broadcast %add3A_304 : i32 to vector<16xi32>
      %add3A_344 = arith.addi %add3A_43, %add3A_343 : vector<16xi32>
      %gather3A_345 = tpu.vector_load_idx %arg8[%add3A_344] : memref<31264xi32, #tpu.memory_space<vmem>>[vector<16xi32>], vector<16xi32>,
      %add3A_346 = vector.broadcast %add3A_306 : i32 to vector<16xi32>
      %add3A_347 = arith.addi %add3A_43, %add3A_346 : vector<16xi32>
      %gather3A_348 = tpu.vector_load_idx %arg8[%add3A_347] : memref<31264xi32, #tpu.memory_space<vmem>>[vector<16xi32>], vector<16xi32>,
      %add3A_349 = vector.broadcast %add3A_308 : i32 to vector<16xi32>
      %add3A_350 = arith.addi %add3A_43, %add3A_349 : vector<16xi32>
      %gather3A_351 = tpu.vector_load_idx %arg8[%add3A_350] : memref<31264xi32, #tpu.memory_space<vmem>>[vector<16xi32>], vector<16xi32>,
      %add3A_352 = vector.broadcast %add3A_310 : i32 to vector<16xi32>
      %add3A_353 = arith.addi %add3A_43, %add3A_352 : vector<16xi32>
      %gather3A_354 = tpu.vector_load_idx %arg8[%add3A_353] : memref<31264xi32, #tpu.memory_space<vmem>>[vector<16xi32>], vector<16xi32>,
      %add3A_355 = vector.broadcast %add3A_312 : i32 to vector<16xi32>
      %add3A_356 = arith.addi %add3A_43, %add3A_355 : vector<16xi32>
      %gather3A_357 = tpu.vector_load_idx %arg8[%add3A_356] : memref<31264xi32, #tpu.memory_space<vmem>>[vector<16xi32>], vector<16xi32>,
      %add3A_358 = vector.broadcast %add3A_314 : i32 to vector<16xi32>
      %add3A_359 = arith.addi %add3A_43, %add3A_358 : vector<16xi32>
      %gather3A_360 = tpu.vector_load_idx %arg8[%add3A_359] : memref<31264xi32, #tpu.memory_space<vmem>>[vector<16xi32>], vector<16xi32>,
      %add3A_361 = vector.broadcast %add3A_316 : i32 to vector<16xi32>
      %add3A_362 = arith.addi %add3A_43, %add3A_361 : vector<16xi32>
      %gather3A_363 = tpu.vector_load_idx %arg8[%add3A_362] : memref<31264xi32, #tpu.memory_space<vmem>>[vector<16xi32>], vector<16xi32>,
      %add3A_364 = vector.broadcast %add3A_318 : i32 to vector<16xi32>
      %add3A_365 = arith.addi %add3A_43, %add3A_364 : vector<16xi32>
      %gather3A_366 = tpu.vector_load_idx %arg8[%add3A_365] : memref<31264xi32, #tpu.memory_space<vmem>>[vector<16xi32>], vector<16xi32>,
      %gather3A_367 = tpu.vector_load_idx %arg6[%gather3A_321] : memref<89xf32, #tpu.memory_space<vmem>>[vector<16xi32>], vector<16xf32>,
      %gather3A_368 = tpu.vector_load_idx %arg6[%gather3A_324] : memref<89xf32, #tpu.memory_space<vmem>>[vector<16xi32>], vector<16xf32>,
      %gather3A_369 = tpu.vector_load_idx %arg6[%gather3A_327] : memref<89xf32, #tpu.memory_space<vmem>>[vector<16xi32>], vector<16xf32>,
      %gather3A_370 = tpu.vector_load_idx %arg6[%gather3A_330] : memref<89xf32, #tpu.memory_space<vmem>>[vector<16xi32>], vector<16xf32>,
      %gather3A_371 = tpu.vector_load_idx %arg6[%gather3A_333] : memref<89xf32, #tpu.memory_space<vmem>>[vector<16xi32>], vector<16xf32>,
      %gather3A_372 = tpu.vector_load_idx %arg6[%gather3A_336] : memref<89xf32, #tpu.memory_space<vmem>>[vector<16xi32>], vector<16xf32>,
      %gather3A_373 = tpu.vector_load_idx %arg6[%gather3A_339] : memref<89xf32, #tpu.memory_space<vmem>>[vector<16xi32>], vector<16xf32>,
      %gather3A_374 = tpu.vector_load_idx %arg6[%gather3A_342] : memref<89xf32, #tpu.memory_space<vmem>>[vector<16xi32>], vector<16xf32>,
      %ne3A_375 = arith.cmpi ne, %gather3A_345, %scan3A_300 : vector<16xi32>
      tpu.vector_store_idx %arg9[%scan3A_300], %scan3A_299 masked %ne3A_375 {add = true} : memref<8208xf32, #tpu.memory_space<vmem>>[vector<16xi32>], vector<16xf32>, vector<16xi1>
      %add3A_376 = arith.addf %scan3A_299, %gather3A_367 : vector<16xf32>
      %select_n3A_377 = arith.select %ne3A_375, %gather3A_367, %add3A_376 : vector<16xi1>, vector<16xf32>
      %ne3A_378 = arith.cmpi ne, %gather3A_348, %gather3A_345 : vector<16xi32>
      tpu.vector_store_idx %arg9[%gather3A_345], %select_n3A_377 masked %ne3A_378 {add = true} : memref<8208xf32, #tpu.memory_space<vmem>>[vector<16xi32>], vector<16xf32>, vector<16xi1>
      %add3A_379 = arith.addf %select_n3A_377, %gather3A_368 : vector<16xf32>
      %select_n3A_380 = arith.select %ne3A_378, %gather3A_368, %add3A_379 : vector<16xi1>, vector<16xf32>
      %ne3A_381 = arith.cmpi ne, %gather3A_351, %gather3A_348 : vector<16xi32>
      tpu.vector_store_idx %arg9[%gather3A_348], %select_n3A_380 masked %ne3A_381 {add = true} : memref<8208xf32, #tpu.memory_space<vmem>>[vector<16xi32>], vector<16xf32>, vector<16xi1>
      %add3A_382 = arith.addf %select_n3A_380, %gather3A_369 : vector<16xf32>
      %select_n3A_383 = arith.select %ne3A_381, %gather3A_369, %add3A_382 : vector<16xi1>, vector<16xf32>
      %ne3A_384 = arith.cmpi ne, %gather3A_354, %gather3A_351 : vector<16xi32>
      tpu.vector_store_idx %arg9[%gather3A_351], %select_n3A_383 masked %ne3A_384 {add = true} : memref<8208xf32, #tpu.memory_space<vmem>>[vector<16xi32>], vector<16xf32>, vector<16xi1>
      %add3A_385 = arith.addf %select_n3A_383, %gather3A_370 : vector<16xf32>
      %select_n3A_386 = arith.select %ne3A_384, %gather3A_370, %add3A_385 : vector<16xi1>, vector<16xf32>
      %ne3A_387 = arith.cmpi ne, %gather3A_357, %gather3A_354 : vector<16xi32>
      tpu.vector_store_idx %arg9[%gather3A_354], %select_n3A_386 masked %ne3A_387 {add = true} : memref<8208xf32, #tpu.memory_space<vmem>>[vector<16xi32>], vector<16xf32>, vector<16xi1>
      %add3A_388 = arith.addf %select_n3A_386, %gather3A_371 : vector<16xf32>
      %select_n3A_389 = arith.select %ne3A_387, %gather3A_371, %add3A_388 : vector<16xi1>, vector<16xf32>
      %ne3A_390 = arith.cmpi ne, %gather3A_360, %gather3A_357 : vector<16xi32>
      tpu.vector_store_idx %arg9[%gather3A_357], %select_n3A_389 masked %ne3A_390 {add = true} : memref<8208xf32, #tpu.memory_space<vmem>>[vector<16xi32>], vector<16xf32>, vector<16xi1>
      %add3A_391 = arith.addf %select_n3A_389, %gather3A_372 : vector<16xf32>
      %select_n3A_392 = arith.select %ne3A_390, %gather3A_372, %add3A_391 : vector<16xi1>, vector<16xf32>
      %ne3A_393 = arith.cmpi ne, %gather3A_363, %gather3A_360 : vector<16xi32>
      tpu.vector_store_idx %arg9[%gather3A_360], %select_n3A_392 masked %ne3A_393 {add = true} : memref<8208xf32, #tpu.memory_space<vmem>>[vector<16xi32>], vector<16xf32>, vector<16xi1>
      %add3A_394 = arith.addf %select_n3A_392, %gather3A_373 : vector<16xf32>
      %select_n3A_395 = arith.select %ne3A_393, %gather3A_373, %add3A_394 : vector<16xi1>, vector<16xf32>
      %ne3A_396 = arith.cmpi ne, %gather3A_366, %gather3A_363 : vector<16xi32>
      tpu.vector_store_idx %arg9[%gather3A_363], %select_n3A_395 masked %ne3A_396 {add = true} : memref<8208xf32, #tpu.memory_space<vmem>>[vector<16xi32>], vector<16xf32>, vector<16xi1>
      %add3A_397 = arith.addf %select_n3A_395, %gather3A_374 : vector<16xf32>
      %select_n3A_398 = arith.select %ne3A_396, %gather3A_374, %add3A_397 : vector<16xi1>, vector<16xf32>
      scf.yield %select_n3A_398, %gather3A_366 : vector<16xf32>, vector<16xi32>
    }
    %scan3A_51 = arith.constant 122 : i32
    %add3A_52 = arith.constant 976 : i32
    %add3A_53 = vector.broadcast %add3A_52 : i32 to vector<16xi32>
    %add3A_54 = arith.addi %add3A_43, %add3A_53 : vector<16xi32>
    %gather3A = tpu.vector_load_idx %arg7[%add3A_54] : memref<31264xi32, #tpu.memory_space<vmem>>[vector<16xi32>], vector<16xi32>,
    %add3A_55 = arith.constant 976 : i32
    %add3A_56 = vector.broadcast %add3A_55 : i32 to vector<16xi32>
    %add3A_57 = arith.addi %add3A_43, %add3A_56 : vector<16xi32>
    %gather3A_58 = tpu.vector_load_idx %arg8[%add3A_57] : memref<31264xi32, #tpu.memory_space<vmem>>[vector<16xi32>], vector<16xi32>,
    %gather3A_59 = tpu.vector_load_idx %arg6[%gather3A] : memref<89xf32, #tpu.memory_space<vmem>>[vector<16xi32>], vector<16xf32>,
    %ne3A_60 = arith.cmpi ne, %gather3A_58, %scan3A_50#1 : vector<16xi32>
    tpu.vector_store_idx %arg9[%scan3A_50#1], %scan3A_50#0 masked %ne3A_60 {add = true} : memref<8208xf32, #tpu.memory_space<vmem>>[vector<16xi32>], vector<16xf32>, vector<16xi1>
    %add3A_61 = arith.addf %scan3A_50#0, %gather3A_59 : vector<16xf32>
    %select_n3A = arith.select %ne3A_60, %gather3A_59, %add3A_61 : vector<16xi1>, vector<16xf32>
    %eq3A_62 = arith.constant 0 : i32
    %eq3A_63 = vector.broadcast %eq3A_62 : i32 to vector<16xi32>
    %eq3A_64 = arith.cmpi eq, %iota3A, %eq3A_63 : vector<16xi32>
    tpu.vector_store_idx %arg9[%gather3A_58], %select_n3A masked %eq3A_64 {add = true} : memref<8208xf32, #tpu.memory_space<vmem>>[vector<16xi32>], vector<16xf32>, vector<16xi1>
    %eq3A_65 = arith.constant 1 : i32
    %eq3A_66 = vector.broadcast %eq3A_65 : i32 to vector<16xi32>
    %eq3A_67 = arith.cmpi eq, %iota3A, %eq3A_66 : vector<16xi32>
    tpu.vector_store_idx %arg9[%gather3A_58], %select_n3A masked %eq3A_67 {add = true} : memref<8208xf32, #tpu.memory_space<vmem>>[vector<16xi32>], vector<16xf32>, vector<16xi1>
    %eq3A_68 = arith.constant 2 : i32
    %eq3A_69 = vector.broadcast %eq3A_68 : i32 to vector<16xi32>
    %eq3A_70 = arith.cmpi eq, %iota3A, %eq3A_69 : vector<16xi32>
    tpu.vector_store_idx %arg9[%gather3A_58], %select_n3A masked %eq3A_70 {add = true} : memref<8208xf32, #tpu.memory_space<vmem>>[vector<16xi32>], vector<16xf32>, vector<16xi1>
    %eq3A_71 = arith.constant 3 : i32
    %eq3A_72 = vector.broadcast %eq3A_71 : i32 to vector<16xi32>
    %eq3A_73 = arith.cmpi eq, %iota3A, %eq3A_72 : vector<16xi32>
    tpu.vector_store_idx %arg9[%gather3A_58], %select_n3A masked %eq3A_73 {add = true} : memref<8208xf32, #tpu.memory_space<vmem>>[vector<16xi32>], vector<16xf32>, vector<16xi1>
    %eq3A_74 = arith.constant 4 : i32
    %eq3A_75 = vector.broadcast %eq3A_74 : i32 to vector<16xi32>
    %eq3A_76 = arith.cmpi eq, %iota3A, %eq3A_75 : vector<16xi32>
    tpu.vector_store_idx %arg9[%gather3A_58], %select_n3A masked %eq3A_76 {add = true} : memref<8208xf32, #tpu.memory_space<vmem>>[vector<16xi32>], vector<16xf32>, vector<16xi1>
    %eq3A_77 = arith.constant 5 : i32
    %eq3A_78 = vector.broadcast %eq3A_77 : i32 to vector<16xi32>
    %eq3A_79 = arith.cmpi eq, %iota3A, %eq3A_78 : vector<16xi32>
    tpu.vector_store_idx %arg9[%gather3A_58], %select_n3A masked %eq3A_79 {add = true} : memref<8208xf32, #tpu.memory_space<vmem>>[vector<16xi32>], vector<16xf32>, vector<16xi1>
    %eq3A_80 = arith.constant 6 : i32
    %eq3A_81 = vector.broadcast %eq3A_80 : i32 to vector<16xi32>
    %eq3A_82 = arith.cmpi eq, %iota3A, %eq3A_81 : vector<16xi32>
    tpu.vector_store_idx %arg9[%gather3A_58], %select_n3A masked %eq3A_82 {add = true} : memref<8208xf32, #tpu.memory_space<vmem>>[vector<16xi32>], vector<16xf32>, vector<16xi1>
    %eq3A_83 = arith.constant 7 : i32
    %eq3A_84 = vector.broadcast %eq3A_83 : i32 to vector<16xi32>
    %eq3A_85 = arith.cmpi eq, %iota3A, %eq3A_84 : vector<16xi32>
    tpu.vector_store_idx %arg9[%gather3A_58], %select_n3A masked %eq3A_85 {add = true} : memref<8208xf32, #tpu.memory_space<vmem>>[vector<16xi32>], vector<16xf32>, vector<16xi1>
    %eq3A_86 = arith.constant 8 : i32
    %eq3A_87 = vector.broadcast %eq3A_86 : i32 to vector<16xi32>
    %eq3A_88 = arith.cmpi eq, %iota3A, %eq3A_87 : vector<16xi32>
    tpu.vector_store_idx %arg9[%gather3A_58], %select_n3A masked %eq3A_88 {add = true} : memref<8208xf32, #tpu.memory_space<vmem>>[vector<16xi32>], vector<16xf32>, vector<16xi1>
    %eq3A_89 = arith.constant 9 : i32
    %eq3A_90 = vector.broadcast %eq3A_89 : i32 to vector<16xi32>
    %eq3A_91 = arith.cmpi eq, %iota3A, %eq3A_90 : vector<16xi32>
    tpu.vector_store_idx %arg9[%gather3A_58], %select_n3A masked %eq3A_91 {add = true} : memref<8208xf32, #tpu.memory_space<vmem>>[vector<16xi32>], vector<16xf32>, vector<16xi1>
    %eq3A_92 = arith.constant 10 : i32
    %eq3A_93 = vector.broadcast %eq3A_92 : i32 to vector<16xi32>
    %eq3A_94 = arith.cmpi eq, %iota3A, %eq3A_93 : vector<16xi32>
    tpu.vector_store_idx %arg9[%gather3A_58], %select_n3A masked %eq3A_94 {add = true} : memref<8208xf32, #tpu.memory_space<vmem>>[vector<16xi32>], vector<16xf32>, vector<16xi1>
    %eq3A_95 = arith.constant 11 : i32
    %eq3A_96 = vector.broadcast %eq3A_95 : i32 to vector<16xi32>
    %eq3A_97 = arith.cmpi eq, %iota3A, %eq3A_96 : vector<16xi32>
    tpu.vector_store_idx %arg9[%gather3A_58], %select_n3A masked %eq3A_97 {add = true} : memref<8208xf32, #tpu.memory_space<vmem>>[vector<16xi32>], vector<16xf32>, vector<16xi1>
    %eq3A_98 = arith.constant 12 : i32
    %eq3A_99 = vector.broadcast %eq3A_98 : i32 to vector<16xi32>
    %eq3A_100 = arith.cmpi eq, %iota3A, %eq3A_99 : vector<16xi32>
    tpu.vector_store_idx %arg9[%gather3A_58], %select_n3A masked %eq3A_100 {add = true} : memref<8208xf32, #tpu.memory_space<vmem>>[vector<16xi32>], vector<16xf32>, vector<16xi1>
    %eq3A_101 = arith.constant 13 : i32
    %eq3A_102 = vector.broadcast %eq3A_101 : i32 to vector<16xi32>
    %eq3A_103 = arith.cmpi eq, %iota3A, %eq3A_102 : vector<16xi32>
    tpu.vector_store_idx %arg9[%gather3A_58], %select_n3A masked %eq3A_103 {add = true} : memref<8208xf32, #tpu.memory_space<vmem>>[vector<16xi32>], vector<16xf32>, vector<16xi1>
    %eq3A_104 = arith.constant 14 : i32
    %eq3A_105 = vector.broadcast %eq3A_104 : i32 to vector<16xi32>
    %eq3A_106 = arith.cmpi eq, %iota3A, %eq3A_105 : vector<16xi32>
    tpu.vector_store_idx %arg9[%gather3A_58], %select_n3A masked %eq3A_106 {add = true} : memref<8208xf32, #tpu.memory_space<vmem>>[vector<16xi32>], vector<16xf32>, vector<16xi1>
    %eq3A_107 = arith.constant 15 : i32
    %eq3A_108 = vector.broadcast %eq3A_107 : i32 to vector<16xi32>
    %eq3A_109 = arith.cmpi eq, %iota3A, %eq3A_108 : vector<16xi32>
    tpu.vector_store_idx %arg9[%gather3A_58], %select_n3A masked %eq3A_109 {add = true} : memref<8208xf32, #tpu.memory_space<vmem>>[vector<16xi32>], vector<16xf32>, vector<16xi1>
    %ne3A_110 = arith.constant 15 : i32
    %ne3A_111 = arith.cmpi ne, %arg1, %ne3A_110 : i32
    %convert_element_type3A_112 = arith.extui %ne3A_111 : i1 to i32
    %cond3A_113 = arith.constant 0 : i32
    %cond3A_114 = arith.cmpi ne, %convert_element_type3A_112, %cond3A_113 : i32
    scf.if %cond3A_114 {
      %dma_wait3A_298 = arith.constant 15632 : i32
      %dma_wait3A_299 = tpu.memref_slice %arg7[%dma_wait3A_298] : memref<31264xi32, #tpu.memory_space<vmem>> -> memref<15632xi32, #tpu.memory_space<vmem>>
      %dma_wait3A_300 = tpu.memref_slice %arg3[%mul3A_3] : memref<500000xi32, #tpu.memory_space<hbm>> -> memref<15632xi32, #tpu.memory_space<hbm>>
      %dma_wait3A_301 = arith.constant 15632 : i32
      %dma_wait3A_302 = tpu.memref_slice %arg7[%dma_wait3A_301] : memref<31264xi32, #tpu.memory_space<vmem>> -> memref<15632xi32, #tpu.memory_space<vmem>>
      %dma_wait3A_303 = tpu.memref_slice %arg3[%mul3A_3] : memref<500000xi32, #tpu.memory_space<hbm>> -> memref<15632xi32, #tpu.memory_space<hbm>>
      tpu.wait_dma2 semaphore(%arg13 : memref<!tpu.dma_semaphore, #tpu.memory_space<semaphore_mem>>) src(%dma_wait3A_303 : memref<15632xi32, #tpu.memory_space<hbm>>) dst(%dma_wait3A_302 : memref<15632xi32, #tpu.memory_space<vmem>>)
      %dma_wait3A_304 = arith.constant 15632 : i32
      %dma_wait3A_305 = tpu.memref_slice %arg8[%dma_wait3A_304] : memref<31264xi32, #tpu.memory_space<vmem>> -> memref<15632xi32, #tpu.memory_space<vmem>>
      %dma_wait3A_306 = tpu.memref_slice %arg4[%mul3A_3] : memref<500000xi32, #tpu.memory_space<hbm>> -> memref<15632xi32, #tpu.memory_space<hbm>>
      %dma_wait3A_307 = arith.constant 15632 : i32
      %dma_wait3A_308 = tpu.memref_slice %arg8[%dma_wait3A_307] : memref<31264xi32, #tpu.memory_space<vmem>> -> memref<15632xi32, #tpu.memory_space<vmem>>
      %dma_wait3A_309 = tpu.memref_slice %arg4[%mul3A_3] : memref<500000xi32, #tpu.memory_space<hbm>> -> memref<15632xi32, #tpu.memory_space<hbm>>
      tpu.wait_dma2 semaphore(%arg13 : memref<!tpu.dma_semaphore, #tpu.memory_space<semaphore_mem>>) src(%dma_wait3A_309 : memref<15632xi32, #tpu.memory_space<hbm>>) dst(%dma_wait3A_308 : memref<15632xi32, #tpu.memory_space<vmem>>)
    } else {
    }
    %eq3A_115 = arith.constant 15 : i32
    %eq3A_116 = arith.cmpi eq, %arg1, %eq3A_115 : i32
    %convert_element_type3A_117 = arith.extui %eq3A_116 : i1 to i32
    %cond3A_118 = arith.constant 0 : i32
    %cond3A_119 = arith.cmpi ne, %convert_element_type3A_117, %cond3A_118 : i32
    scf.if %cond3A_119 {
      %dma_wait3A_298 = arith.constant 15632 : i32
      %dma_wait3A_299 = tpu.memref_slice %arg7[%dma_wait3A_298] : memref<31264xi32, #tpu.memory_space<vmem>> -> memref<15408xi32, #tpu.memory_space<vmem>>
      %dma_wait3A_300 = tpu.memref_slice %arg3[%mul3A_3] : memref<500000xi32, #tpu.memory_space<hbm>> -> memref<15408xi32, #tpu.memory_space<hbm>>
      %dma_wait3A_301 = arith.constant 15632 : i32
      %dma_wait3A_302 = tpu.memref_slice %arg7[%dma_wait3A_301] : memref<31264xi32, #tpu.memory_space<vmem>> -> memref<15408xi32, #tpu.memory_space<vmem>>
      %dma_wait3A_303 = tpu.memref_slice %arg3[%mul3A_3] : memref<500000xi32, #tpu.memory_space<hbm>> -> memref<15408xi32, #tpu.memory_space<hbm>>
      tpu.wait_dma2 semaphore(%arg13 : memref<!tpu.dma_semaphore, #tpu.memory_space<semaphore_mem>>) src(%dma_wait3A_303 : memref<15408xi32, #tpu.memory_space<hbm>>) dst(%dma_wait3A_302 : memref<15408xi32, #tpu.memory_space<vmem>>)
      %dma_wait3A_304 = arith.constant 15632 : i32
      %dma_wait3A_305 = tpu.memref_slice %arg8[%dma_wait3A_304] : memref<31264xi32, #tpu.memory_space<vmem>> -> memref<15408xi32, #tpu.memory_space<vmem>>
      %dma_wait3A_306 = tpu.memref_slice %arg4[%mul3A_3] : memref<500000xi32, #tpu.memory_space<hbm>> -> memref<15408xi32, #tpu.memory_space<hbm>>
      %dma_wait3A_307 = arith.constant 15632 : i32
      %dma_wait3A_308 = tpu.memref_slice %arg8[%dma_wait3A_307] : memref<31264xi32, #tpu.memory_space<vmem>> -> memref<15408xi32, #tpu.memory_space<vmem>>
      %dma_wait3A_309 = tpu.memref_slice %arg4[%mul3A_3] : memref<500000xi32, #tpu.memory_space<hbm>> -> memref<15408xi32, #tpu.memory_space<hbm>>
      tpu.wait_dma2 semaphore(%arg13 : memref<!tpu.dma_semaphore, #tpu.memory_space<semaphore_mem>>) src(%dma_wait3A_309 : memref<15408xi32, #tpu.memory_space<hbm>>) dst(%dma_wait3A_308 : memref<15408xi32, #tpu.memory_space<vmem>>)
    } else {
    }
    %mul3A_120 = arith.constant 977 : i32
    %mul3A_121 = vector.broadcast %mul3A_120 : i32 to vector<16xi32>
    %mul3A_122 = arith.muli %iota3A, %mul3A_121 : vector<16xi32>
    %add3A_123 = arith.constant 15632 : i32
    %add3A_124 = vector.broadcast %add3A_123 : i32 to vector<16xi32>
    %add3A_125 = arith.addi %mul3A_122, %add3A_124 : vector<16xi32>
    %broadcast_in_dim3A_126 = arith.constant 8192 : i32
    %broadcast_in_dim3A_127 = vector.broadcast %broadcast_in_dim3A_126 : i32 to vector<16xi32>
    %scan3A_128 = arith.constant 0 : i32
    %scan3A_129 = arith.constant 122 : i32
    %scan3A_130 = arith.addi %scan3A_128, %scan3A_129 : i32
    %scan3A_131 = arith.constant 1 : i32
    %scan3A_132:2 = scf.for %scan3A_298 = %scan3A_128 to %scan3A_130 step %scan3A_131 iter_args(%scan3A_299 = %broadcast_in_dim3A_21, %scan3A_300 = %broadcast_in_dim3A_127) -> (vector<16xf32>, vector<16xi32>)  : i32 {
      %mul3A_301 = arith.constant 8 : i32
      %mul3A_302 = arith.muli %scan3A_298, %mul3A_301 : i32
      %add3A_303 = arith.constant 0 : i32
      %add3A_304 = arith.addi %mul3A_302, %add3A_303 : i32
      %add3A_305 = arith.constant 1 : i32
      %add3A_306 = arith.addi %mul3A_302, %add3A_305 : i32
      %add3A_307 = arith.constant 2 : i32
      %add3A_308 = arith.addi %mul3A_302, %add3A_307 : i32
      %add3A_309 = arith.constant 3 : i32
      %add3A_310 = arith.addi %mul3A_302, %add3A_309 : i32
      %add3A_311 = arith.constant 4 : i32
      %add3A_312 = arith.addi %mul3A_302, %add3A_311 : i32
      %add3A_313 = arith.constant 5 : i32
      %add3A_314 = arith.addi %mul3A_302, %add3A_313 : i32
      %add3A_315 = arith.constant 6 : i32
      %add3A_316 = arith.addi %mul3A_302, %add3A_315 : i32
      %add3A_317 = arith.constant 7 : i32
      %add3A_318 = arith.addi %mul3A_302, %add3A_317 : i32
      %add3A_319 = vector.broadcast %add3A_304 : i32 to vector<16xi32>
      %add3A_320 = arith.addi %add3A_125, %add3A_319 : vector<16xi32>
      %gather3A_321 = tpu.vector_load_idx %arg7[%add3A_320] : memref<31264xi32, #tpu.memory_space<vmem>>[vector<16xi32>], vector<16xi32>,
      %add3A_322 = vector.broadcast %add3A_306 : i32 to vector<16xi32>
      %add3A_323 = arith.addi %add3A_125, %add3A_322 : vector<16xi32>
      %gather3A_324 = tpu.vector_load_idx %arg7[%add3A_323] : memref<31264xi32, #tpu.memory_space<vmem>>[vector<16xi32>], vector<16xi32>,
      %add3A_325 = vector.broadcast %add3A_308 : i32 to vector<16xi32>
      %add3A_326 = arith.addi %add3A_125, %add3A_325 : vector<16xi32>
      %gather3A_327 = tpu.vector_load_idx %arg7[%add3A_326] : memref<31264xi32, #tpu.memory_space<vmem>>[vector<16xi32>], vector<16xi32>,
      %add3A_328 = vector.broadcast %add3A_310 : i32 to vector<16xi32>
      %add3A_329 = arith.addi %add3A_125, %add3A_328 : vector<16xi32>
      %gather3A_330 = tpu.vector_load_idx %arg7[%add3A_329] : memref<31264xi32, #tpu.memory_space<vmem>>[vector<16xi32>], vector<16xi32>,
      %add3A_331 = vector.broadcast %add3A_312 : i32 to vector<16xi32>
      %add3A_332 = arith.addi %add3A_125, %add3A_331 : vector<16xi32>
      %gather3A_333 = tpu.vector_load_idx %arg7[%add3A_332] : memref<31264xi32, #tpu.memory_space<vmem>>[vector<16xi32>], vector<16xi32>,
      %add3A_334 = vector.broadcast %add3A_314 : i32 to vector<16xi32>
      %add3A_335 = arith.addi %add3A_125, %add3A_334 : vector<16xi32>
      %gather3A_336 = tpu.vector_load_idx %arg7[%add3A_335] : memref<31264xi32, #tpu.memory_space<vmem>>[vector<16xi32>], vector<16xi32>,
      %add3A_337 = vector.broadcast %add3A_316 : i32 to vector<16xi32>
      %add3A_338 = arith.addi %add3A_125, %add3A_337 : vector<16xi32>
      %gather3A_339 = tpu.vector_load_idx %arg7[%add3A_338] : memref<31264xi32, #tpu.memory_space<vmem>>[vector<16xi32>], vector<16xi32>,
      %add3A_340 = vector.broadcast %add3A_318 : i32 to vector<16xi32>
      %add3A_341 = arith.addi %add3A_125, %add3A_340 : vector<16xi32>
      %gather3A_342 = tpu.vector_load_idx %arg7[%add3A_341] : memref<31264xi32, #tpu.memory_space<vmem>>[vector<16xi32>], vector<16xi32>,
      %add3A_343 = vector.broadcast %add3A_304 : i32 to vector<16xi32>
      %add3A_344 = arith.addi %add3A_125, %add3A_343 : vector<16xi32>
      %gather3A_345 = tpu.vector_load_idx %arg8[%add3A_344] : memref<31264xi32, #tpu.memory_space<vmem>>[vector<16xi32>], vector<16xi32>,
      %add3A_346 = vector.broadcast %add3A_306 : i32 to vector<16xi32>
      %add3A_347 = arith.addi %add3A_125, %add3A_346 : vector<16xi32>
      %gather3A_348 = tpu.vector_load_idx %arg8[%add3A_347] : memref<31264xi32, #tpu.memory_space<vmem>>[vector<16xi32>], vector<16xi32>,
      %add3A_349 = vector.broadcast %add3A_308 : i32 to vector<16xi32>
      %add3A_350 = arith.addi %add3A_125, %add3A_349 : vector<16xi32>
      %gather3A_351 = tpu.vector_load_idx %arg8[%add3A_350] : memref<31264xi32, #tpu.memory_space<vmem>>[vector<16xi32>], vector<16xi32>,
      %add3A_352 = vector.broadcast %add3A_310 : i32 to vector<16xi32>
      %add3A_353 = arith.addi %add3A_125, %add3A_352 : vector<16xi32>
      %gather3A_354 = tpu.vector_load_idx %arg8[%add3A_353] : memref<31264xi32, #tpu.memory_space<vmem>>[vector<16xi32>], vector<16xi32>,
      %add3A_355 = vector.broadcast %add3A_312 : i32 to vector<16xi32>
      %add3A_356 = arith.addi %add3A_125, %add3A_355 : vector<16xi32>
      %gather3A_357 = tpu.vector_load_idx %arg8[%add3A_356] : memref<31264xi32, #tpu.memory_space<vmem>>[vector<16xi32>], vector<16xi32>,
      %add3A_358 = vector.broadcast %add3A_314 : i32 to vector<16xi32>
      %add3A_359 = arith.addi %add3A_125, %add3A_358 : vector<16xi32>
      %gather3A_360 = tpu.vector_load_idx %arg8[%add3A_359] : memref<31264xi32, #tpu.memory_space<vmem>>[vector<16xi32>], vector<16xi32>,
      %add3A_361 = vector.broadcast %add3A_316 : i32 to vector<16xi32>
      %add3A_362 = arith.addi %add3A_125, %add3A_361 : vector<16xi32>
      %gather3A_363 = tpu.vector_load_idx %arg8[%add3A_362] : memref<31264xi32, #tpu.memory_space<vmem>>[vector<16xi32>], vector<16xi32>,
      %add3A_364 = vector.broadcast %add3A_318 : i32 to vector<16xi32>
      %add3A_365 = arith.addi %add3A_125, %add3A_364 : vector<16xi32>
      %gather3A_366 = tpu.vector_load_idx %arg8[%add3A_365] : memref<31264xi32, #tpu.memory_space<vmem>>[vector<16xi32>], vector<16xi32>,
      %gather3A_367 = tpu.vector_load_idx %arg6[%gather3A_321] : memref<89xf32, #tpu.memory_space<vmem>>[vector<16xi32>], vector<16xf32>,
      %gather3A_368 = tpu.vector_load_idx %arg6[%gather3A_324] : memref<89xf32, #tpu.memory_space<vmem>>[vector<16xi32>], vector<16xf32>,
      %gather3A_369 = tpu.vector_load_idx %arg6[%gather3A_327] : memref<89xf32, #tpu.memory_space<vmem>>[vector<16xi32>], vector<16xf32>,
      %gather3A_370 = tpu.vector_load_idx %arg6[%gather3A_330] : memref<89xf32, #tpu.memory_space<vmem>>[vector<16xi32>], vector<16xf32>,
      %gather3A_371 = tpu.vector_load_idx %arg6[%gather3A_333] : memref<89xf32, #tpu.memory_space<vmem>>[vector<16xi32>], vector<16xf32>,
      %gather3A_372 = tpu.vector_load_idx %arg6[%gather3A_336] : memref<89xf32, #tpu.memory_space<vmem>>[vector<16xi32>], vector<16xf32>,
      %gather3A_373 = tpu.vector_load_idx %arg6[%gather3A_339] : memref<89xf32, #tpu.memory_space<vmem>>[vector<16xi32>], vector<16xf32>,
      %gather3A_374 = tpu.vector_load_idx %arg6[%gather3A_342] : memref<89xf32, #tpu.memory_space<vmem>>[vector<16xi32>], vector<16xf32>,
      %ne3A_375 = arith.cmpi ne, %gather3A_345, %scan3A_300 : vector<16xi32>
      tpu.vector_store_idx %arg9[%scan3A_300], %scan3A_299 masked %ne3A_375 {add = true} : memref<8208xf32, #tpu.memory_space<vmem>>[vector<16xi32>], vector<16xf32>, vector<16xi1>
      %add3A_376 = arith.addf %scan3A_299, %gather3A_367 : vector<16xf32>
      %select_n3A_377 = arith.select %ne3A_375, %gather3A_367, %add3A_376 : vector<16xi1>, vector<16xf32>
      %ne3A_378 = arith.cmpi ne, %gather3A_348, %gather3A_345 : vector<16xi32>
      tpu.vector_store_idx %arg9[%gather3A_345], %select_n3A_377 masked %ne3A_378 {add = true} : memref<8208xf32, #tpu.memory_space<vmem>>[vector<16xi32>], vector<16xf32>, vector<16xi1>
      %add3A_379 = arith.addf %select_n3A_377, %gather3A_368 : vector<16xf32>
      %select_n3A_380 = arith.select %ne3A_378, %gather3A_368, %add3A_379 : vector<16xi1>, vector<16xf32>
      %ne3A_381 = arith.cmpi ne, %gather3A_351, %gather3A_348 : vector<16xi32>
      tpu.vector_store_idx %arg9[%gather3A_348], %select_n3A_380 masked %ne3A_381 {add = true} : memref<8208xf32, #tpu.memory_space<vmem>>[vector<16xi32>], vector<16xf32>, vector<16xi1>
      %add3A_382 = arith.addf %select_n3A_380, %gather3A_369 : vector<16xf32>
      %select_n3A_383 = arith.select %ne3A_381, %gather3A_369, %add3A_382 : vector<16xi1>, vector<16xf32>
      %ne3A_384 = arith.cmpi ne, %gather3A_354, %gather3A_351 : vector<16xi32>
      tpu.vector_store_idx %arg9[%gather3A_351], %select_n3A_383 masked %ne3A_384 {add = true} : memref<8208xf32, #tpu.memory_space<vmem>>[vector<16xi32>], vector<16xf32>, vector<16xi1>
      %add3A_385 = arith.addf %select_n3A_383, %gather3A_370 : vector<16xf32>
      %select_n3A_386 = arith.select %ne3A_384, %gather3A_370, %add3A_385 : vector<16xi1>, vector<16xf32>
      %ne3A_387 = arith.cmpi ne, %gather3A_357, %gather3A_354 : vector<16xi32>
      tpu.vector_store_idx %arg9[%gather3A_354], %select_n3A_386 masked %ne3A_387 {add = true} : memref<8208xf32, #tpu.memory_space<vmem>>[vector<16xi32>], vector<16xf32>, vector<16xi1>
      %add3A_388 = arith.addf %select_n3A_386, %gather3A_371 : vector<16xf32>
      %select_n3A_389 = arith.select %ne3A_387, %gather3A_371, %add3A_388 : vector<16xi1>, vector<16xf32>
      %ne3A_390 = arith.cmpi ne, %gather3A_360, %gather3A_357 : vector<16xi32>
      tpu.vector_store_idx %arg9[%gather3A_357], %select_n3A_389 masked %ne3A_390 {add = true} : memref<8208xf32, #tpu.memory_space<vmem>>[vector<16xi32>], vector<16xf32>, vector<16xi1>
      %add3A_391 = arith.addf %select_n3A_389, %gather3A_372 : vector<16xf32>
      %select_n3A_392 = arith.select %ne3A_390, %gather3A_372, %add3A_391 : vector<16xi1>, vector<16xf32>
      %ne3A_393 = arith.cmpi ne, %gather3A_363, %gather3A_360 : vector<16xi32>
      tpu.vector_store_idx %arg9[%gather3A_360], %select_n3A_392 masked %ne3A_393 {add = true} : memref<8208xf32, #tpu.memory_space<vmem>>[vector<16xi32>], vector<16xf32>, vector<16xi1>
      %add3A_394 = arith.addf %select_n3A_392, %gather3A_373 : vector<16xf32>
      %select_n3A_395 = arith.select %ne3A_393, %gather3A_373, %add3A_394 : vector<16xi1>, vector<16xf32>
      %ne3A_396 = arith.cmpi ne, %gather3A_366, %gather3A_363 : vector<16xi32>
      tpu.vector_store_idx %arg9[%gather3A_363], %select_n3A_395 masked %ne3A_396 {add = true} : memref<8208xf32, #tpu.memory_space<vmem>>[vector<16xi32>], vector<16xf32>, vector<16xi1>
      %add3A_397 = arith.addf %select_n3A_395, %gather3A_374 : vector<16xf32>
      %select_n3A_398 = arith.select %ne3A_396, %gather3A_374, %add3A_397 : vector<16xi1>, vector<16xf32>
      scf.yield %select_n3A_398, %gather3A_366 : vector<16xf32>, vector<16xi32>
    }
    %scan3A_133 = arith.constant 122 : i32
    %add3A_134 = arith.constant 976 : i32
    %add3A_135 = vector.broadcast %add3A_134 : i32 to vector<16xi32>
    %add3A_136 = arith.addi %add3A_125, %add3A_135 : vector<16xi32>
    %gather3A_137 = tpu.vector_load_idx %arg7[%add3A_136] : memref<31264xi32, #tpu.memory_space<vmem>>[vector<16xi32>], vector<16xi32>,
    %add3A_138 = arith.constant 976 : i32
    %add3A_139 = vector.broadcast %add3A_138 : i32 to vector<16xi32>
    %add3A_140 = arith.addi %add3A_125, %add3A_139 : vector<16xi32>
    %gather3A_141 = tpu.vector_load_idx %arg8[%add3A_140] : memref<31264xi32, #tpu.memory_space<vmem>>[vector<16xi32>], vector<16xi32>,
    %gather3A_142 = tpu.vector_load_idx %arg6[%gather3A_137] : memref<89xf32, #tpu.memory_space<vmem>>[vector<16xi32>], vector<16xf32>,
    %ne3A_143 = arith.cmpi ne, %gather3A_141, %scan3A_132#1 : vector<16xi32>
    tpu.vector_store_idx %arg9[%scan3A_132#1], %scan3A_132#0 masked %ne3A_143 {add = true} : memref<8208xf32, #tpu.memory_space<vmem>>[vector<16xi32>], vector<16xf32>, vector<16xi1>
    %add3A_144 = arith.addf %scan3A_132#0, %gather3A_142 : vector<16xf32>
    %select_n3A_145 = arith.select %ne3A_143, %gather3A_142, %add3A_144 : vector<16xi1>, vector<16xf32>
    %eq3A_146 = arith.constant 0 : i32
    %eq3A_147 = vector.broadcast %eq3A_146 : i32 to vector<16xi32>
    %eq3A_148 = arith.cmpi eq, %iota3A, %eq3A_147 : vector<16xi32>
    tpu.vector_store_idx %arg9[%gather3A_141], %select_n3A_145 masked %eq3A_148 {add = true} : memref<8208xf32, #tpu.memory_space<vmem>>[vector<16xi32>], vector<16xf32>, vector<16xi1>
    %eq3A_149 = arith.constant 1 : i32
    %eq3A_150 = vector.broadcast %eq3A_149 : i32 to vector<16xi32>
    %eq3A_151 = arith.cmpi eq, %iota3A, %eq3A_150 : vector<16xi32>
    tpu.vector_store_idx %arg9[%gather3A_141], %select_n3A_145 masked %eq3A_151 {add = true} : memref<8208xf32, #tpu.memory_space<vmem>>[vector<16xi32>], vector<16xf32>, vector<16xi1>
    %eq3A_152 = arith.constant 2 : i32
    %eq3A_153 = vector.broadcast %eq3A_152 : i32 to vector<16xi32>
    %eq3A_154 = arith.cmpi eq, %iota3A, %eq3A_153 : vector<16xi32>
    tpu.vector_store_idx %arg9[%gather3A_141], %select_n3A_145 masked %eq3A_154 {add = true} : memref<8208xf32, #tpu.memory_space<vmem>>[vector<16xi32>], vector<16xf32>, vector<16xi1>
    %eq3A_155 = arith.constant 3 : i32
    %eq3A_156 = vector.broadcast %eq3A_155 : i32 to vector<16xi32>
    %eq3A_157 = arith.cmpi eq, %iota3A, %eq3A_156 : vector<16xi32>
    tpu.vector_store_idx %arg9[%gather3A_141], %select_n3A_145 masked %eq3A_157 {add = true} : memref<8208xf32, #tpu.memory_space<vmem>>[vector<16xi32>], vector<16xf32>, vector<16xi1>
    %eq3A_158 = arith.constant 4 : i32
    %eq3A_159 = vector.broadcast %eq3A_158 : i32 to vector<16xi32>
    %eq3A_160 = arith.cmpi eq, %iota3A, %eq3A_159 : vector<16xi32>
    tpu.vector_store_idx %arg9[%gather3A_141], %select_n3A_145 masked %eq3A_160 {add = true} : memref<8208xf32, #tpu.memory_space<vmem>>[vector<16xi32>], vector<16xf32>, vector<16xi1>
    %eq3A_161 = arith.constant 5 : i32
    %eq3A_162 = vector.broadcast %eq3A_161 : i32 to vector<16xi32>
    %eq3A_163 = arith.cmpi eq, %iota3A, %eq3A_162 : vector<16xi32>
    tpu.vector_store_idx %arg9[%gather3A_141], %select_n3A_145 masked %eq3A_163 {add = true} : memref<8208xf32, #tpu.memory_space<vmem>>[vector<16xi32>], vector<16xf32>, vector<16xi1>
    %eq3A_164 = arith.constant 6 : i32
    %eq3A_165 = vector.broadcast %eq3A_164 : i32 to vector<16xi32>
    %eq3A_166 = arith.cmpi eq, %iota3A, %eq3A_165 : vector<16xi32>
    tpu.vector_store_idx %arg9[%gather3A_141], %select_n3A_145 masked %eq3A_166 {add = true} : memref<8208xf32, #tpu.memory_space<vmem>>[vector<16xi32>], vector<16xf32>, vector<16xi1>
    %eq3A_167 = arith.constant 7 : i32
    %eq3A_168 = vector.broadcast %eq3A_167 : i32 to vector<16xi32>
    %eq3A_169 = arith.cmpi eq, %iota3A, %eq3A_168 : vector<16xi32>
    tpu.vector_store_idx %arg9[%gather3A_141], %select_n3A_145 masked %eq3A_169 {add = true} : memref<8208xf32, #tpu.memory_space<vmem>>[vector<16xi32>], vector<16xf32>, vector<16xi1>
    %eq3A_170 = arith.constant 8 : i32
    %eq3A_171 = vector.broadcast %eq3A_170 : i32 to vector<16xi32>
    %eq3A_172 = arith.cmpi eq, %iota3A, %eq3A_171 : vector<16xi32>
    tpu.vector_store_idx %arg9[%gather3A_141], %select_n3A_145 masked %eq3A_172 {add = true} : memref<8208xf32, #tpu.memory_space<vmem>>[vector<16xi32>], vector<16xf32>, vector<16xi1>
    %eq3A_173 = arith.constant 9 : i32
    %eq3A_174 = vector.broadcast %eq3A_173 : i32 to vector<16xi32>
    %eq3A_175 = arith.cmpi eq, %iota3A, %eq3A_174 : vector<16xi32>
    tpu.vector_store_idx %arg9[%gather3A_141], %select_n3A_145 masked %eq3A_175 {add = true} : memref<8208xf32, #tpu.memory_space<vmem>>[vector<16xi32>], vector<16xf32>, vector<16xi1>
    %eq3A_176 = arith.constant 10 : i32
    %eq3A_177 = vector.broadcast %eq3A_176 : i32 to vector<16xi32>
    %eq3A_178 = arith.cmpi eq, %iota3A, %eq3A_177 : vector<16xi32>
    tpu.vector_store_idx %arg9[%gather3A_141], %select_n3A_145 masked %eq3A_178 {add = true} : memref<8208xf32, #tpu.memory_space<vmem>>[vector<16xi32>], vector<16xf32>, vector<16xi1>
    %eq3A_179 = arith.constant 11 : i32
    %eq3A_180 = vector.broadcast %eq3A_179 : i32 to vector<16xi32>
    %eq3A_181 = arith.cmpi eq, %iota3A, %eq3A_180 : vector<16xi32>
    tpu.vector_store_idx %arg9[%gather3A_141], %select_n3A_145 masked %eq3A_181 {add = true} : memref<8208xf32, #tpu.memory_space<vmem>>[vector<16xi32>], vector<16xf32>, vector<16xi1>
    %eq3A_182 = arith.constant 12 : i32
    %eq3A_183 = vector.broadcast %eq3A_182 : i32 to vector<16xi32>
    %eq3A_184 = arith.cmpi eq, %iota3A, %eq3A_183 : vector<16xi32>
    tpu.vector_store_idx %arg9[%gather3A_141], %select_n3A_145 masked %eq3A_184 {add = true} : memref<8208xf32, #tpu.memory_space<vmem>>[vector<16xi32>], vector<16xf32>, vector<16xi1>
    %eq3A_185 = arith.constant 13 : i32
    %eq3A_186 = vector.broadcast %eq3A_185 : i32 to vector<16xi32>
    %eq3A_187 = arith.cmpi eq, %iota3A, %eq3A_186 : vector<16xi32>
    tpu.vector_store_idx %arg9[%gather3A_141], %select_n3A_145 masked %eq3A_187 {add = true} : memref<8208xf32, #tpu.memory_space<vmem>>[vector<16xi32>], vector<16xf32>, vector<16xi1>
    %eq3A_188 = arith.constant 14 : i32
    %eq3A_189 = vector.broadcast %eq3A_188 : i32 to vector<16xi32>
    %eq3A_190 = arith.cmpi eq, %iota3A, %eq3A_189 : vector<16xi32>
    tpu.vector_store_idx %arg9[%gather3A_141], %select_n3A_145 masked %eq3A_190 {add = true} : memref<8208xf32, #tpu.memory_space<vmem>>[vector<16xi32>], vector<16xf32>, vector<16xi1>
    %eq3A_191 = arith.constant 15 : i32
    %eq3A_192 = vector.broadcast %eq3A_191 : i32 to vector<16xi32>
    %eq3A_193 = arith.cmpi eq, %iota3A, %eq3A_192 : vector<16xi32>
    tpu.vector_store_idx %arg9[%gather3A_141], %select_n3A_145 masked %eq3A_193 {add = true} : memref<8208xf32, #tpu.memory_space<vmem>>[vector<16xi32>], vector<16xf32>, vector<16xi1>
    "tpu.region"() ({
      %run_scoped3A = tpu.sem_alloc : memref<!tpu.dma_semaphore, #tpu.memory_space<semaphore_mem>>
      %dma_start3A_298 = arith.constant 0 : i32
      %dma_start3A_299 = tpu.memref_slice %arg9[%dma_start3A_298] : memref<8208xf32, #tpu.memory_space<vmem>> -> memref<8192xf32, #tpu.memory_space<vmem>>
      %dma_start3A_300 = arith.constant 0 : i32
      %dma_start3A_301 = tpu.memref_slice %arg12[%arg1, %dma_start3A_300] : memref<16x8192xf32, #tpu.memory_space<vmem_shared>> -> memref<1x8192xf32, #tpu.memory_space<vmem_shared>>
      %dma_start3A_302 = tpu.memref_squeeze %dma_start3A_301 : memref<1x8192xf32, #tpu.memory_space<vmem_shared>> -> memref<8192xf32, #tpu.memory_space<vmem_shared>>
      %dma_start3A_303 = arith.constant 0 : i32
      %dma_start3A_304 = tpu.memref_slice %arg12[%arg1, %dma_start3A_303] : memref<16x8192xf32, #tpu.memory_space<vmem_shared>> -> memref<1x8192xf32, #tpu.memory_space<vmem_shared>>
      %dma_start3A_305 = tpu.memref_squeeze %dma_start3A_304 : memref<1x8192xf32, #tpu.memory_space<vmem_shared>> -> memref<8192xf32, #tpu.memory_space<vmem_shared>>
      %dma_start3A_306 = arith.constant 0 : i32
      %dma_start3A_307 = tpu.memref_slice %arg9[%dma_start3A_306] : memref<8208xf32, #tpu.memory_space<vmem>> -> memref<8192xf32, #tpu.memory_space<vmem>>
      tpu.enqueue_dma source(%dma_start3A_307 : memref<8192xf32, #tpu.memory_space<vmem>>) target(%dma_start3A_305 : memref<8192xf32, #tpu.memory_space<vmem_shared>>) target_semaphore(%run_scoped3A : memref<!tpu.dma_semaphore, #tpu.memory_space<semaphore_mem>>)
      %dma_wait3A_308 = arith.constant 0 : i32
      %dma_wait3A_309 = tpu.memref_slice %arg9[%dma_wait3A_308] : memref<8208xf32, #tpu.memory_space<vmem>> -> memref<8192xf32, #tpu.memory_space<vmem>>
      %dma_wait3A_310 = arith.constant 0 : i32
      %dma_wait3A_311 = tpu.memref_slice %arg12[%arg1, %dma_wait3A_310] : memref<16x8192xf32, #tpu.memory_space<vmem_shared>> -> memref<1x8192xf32, #tpu.memory_space<vmem_shared>>
      %dma_wait3A_312 = tpu.memref_squeeze %dma_wait3A_311 : memref<1x8192xf32, #tpu.memory_space<vmem_shared>> -> memref<8192xf32, #tpu.memory_space<vmem_shared>>
      %dma_wait3A_313 = arith.constant 0 : i32
      %dma_wait3A_314 = tpu.memref_slice %arg12[%arg1, %dma_wait3A_313] : memref<16x8192xf32, #tpu.memory_space<vmem_shared>> -> memref<1x8192xf32, #tpu.memory_space<vmem_shared>>
      %dma_wait3A_315 = tpu.memref_squeeze %dma_wait3A_314 : memref<1x8192xf32, #tpu.memory_space<vmem_shared>> -> memref<8192xf32, #tpu.memory_space<vmem_shared>>
      %dma_wait3A_316 = arith.constant 0 : i32
      %dma_wait3A_317 = tpu.memref_slice %arg9[%dma_wait3A_316] : memref<8208xf32, #tpu.memory_space<vmem>> -> memref<8192xf32, #tpu.memory_space<vmem>>
      tpu.wait_dma2 semaphore(%run_scoped3A : memref<!tpu.dma_semaphore, #tpu.memory_space<semaphore_mem>>) src(%dma_wait3A_317 : memref<8192xf32, #tpu.memory_space<vmem>>) dst(%dma_wait3A_315 : memref<8192xf32, #tpu.memory_space<vmem_shared>>)
      tpu.yield
    }) : () -> ()
    %barrier3A = arith.constant 0 : index
    tpu.barrier barrier_id(%barrier3A)
    %mul3A_194 = arith.constant 512 : i32
    %mul3A_195 = arith.muli %arg1, %mul3A_194 : i32
    "tpu.region"() ({
      %run_scoped3A = tpu.sem_alloc : memref<!tpu.dma_semaphore, #tpu.memory_space<semaphore_mem>>
      %dma_start3A_298 = arith.constant 0 : i32
      %dma_start3A_299 = tpu.memref_slice %arg12[%dma_start3A_298, %mul3A_195] : memref<16x8192xf32, #tpu.memory_space<vmem_shared>> -> memref<16x512xf32, #tpu.memory_space<vmem_shared>>
      %dma_start3A_300 = arith.constant 0 : i32
      %dma_start3A_301 = tpu.memref_slice %arg12[%dma_start3A_300, %mul3A_195] : memref<16x8192xf32, #tpu.memory_space<vmem_shared>> -> memref<16x512xf32, #tpu.memory_space<vmem_shared>>
      tpu.enqueue_dma source(%dma_start3A_301 : memref<16x512xf32, #tpu.memory_space<vmem_shared>>) target(%arg10 : memref<16x512xf32, #tpu.memory_space<vmem>>) target_semaphore(%run_scoped3A : memref<!tpu.dma_semaphore, #tpu.memory_space<semaphore_mem>>)
      %dma_wait3A_302 = arith.constant 0 : i32
      %dma_wait3A_303 = tpu.memref_slice %arg12[%dma_wait3A_302, %mul3A_195] : memref<16x8192xf32, #tpu.memory_space<vmem_shared>> -> memref<16x512xf32, #tpu.memory_space<vmem_shared>>
      %dma_wait3A_304 = arith.constant 0 : i32
      %dma_wait3A_305 = tpu.memref_slice %arg12[%dma_wait3A_304, %mul3A_195] : memref<16x8192xf32, #tpu.memory_space<vmem_shared>> -> memref<16x512xf32, #tpu.memory_space<vmem_shared>>
      tpu.wait_dma2 semaphore(%run_scoped3A : memref<!tpu.dma_semaphore, #tpu.memory_space<semaphore_mem>>) src(%dma_wait3A_305 : memref<16x512xf32, #tpu.memory_space<vmem_shared>>) dst(%arg10 : memref<16x512xf32, #tpu.memory_space<vmem>>)
      tpu.yield
    }) : () -> ()
    %scan3A_196 = arith.constant 0 : i32
    %scan3A_197 = arith.constant 0 : i32
    %scan3A_198 = arith.constant 32 : i32
    %scan3A_199 = arith.addi %scan3A_197, %scan3A_198 : i32
    %scan3A_200 = arith.constant 1 : i32
    scf.for %scan3A_298 = %scan3A_197 to %scan3A_199 step %scan3A_200  : i32 {
      %mul3A_299 = arith.constant 16 : i32
      %mul3A_300 = arith.muli %scan3A_298, %mul3A_299 : i32
      %swap3A = arith.index_cast %mul3A_300 : i32 to index
      %swap3A_301 = tpu.vector_load %arg11[%swap3A] {strides = array<i32>} : memref<512xf32, #tpu.memory_space<vmem>>, vector<16xf32>,
      tpu.vector_store %arg11[%swap3A], %broadcast_in_dim3A_21 {strides = array<i32>} : memref<512xf32, #tpu.memory_space<vmem>>, vector<16xf32>,
    }
    %scan3A_201 = arith.constant 32 : i32
    %scan3A_202 = arith.constant 0 : i32
    %scan3A_203 = arith.constant 0 : i32
    %scan3A_204 = arith.constant 32 : i32
    %scan3A_205 = arith.addi %scan3A_203, %scan3A_204 : i32
    %scan3A_206 = arith.constant 1 : i32
    scf.for %scan3A_298 = %scan3A_203 to %scan3A_205 step %scan3A_206  : i32 {
      %mul3A_299 = arith.constant 16 : i32
      %mul3A_300 = arith.muli %scan3A_298, %mul3A_299 : i32
      %get3A = arith.index_cast %mul3A_300 : i32 to index
      %get3A_301 = tpu.vector_load %arg11[%get3A] {strides = array<i32>} : memref<512xf32, #tpu.memory_space<vmem>>, vector<16xf32>,
      %mul3A_302 = arith.constant 16 : i32
      %mul3A_303 = arith.muli %scan3A_298, %mul3A_302 : i32
      %get3A_304 = arith.constant 0 : i32
      %get3A_305 = arith.index_cast %get3A_304 : i32 to index
      %get3A_306 = arith.index_cast %mul3A_303 : i32 to index
      %get3A_307 = tpu.vector_load %arg10[%get3A_305, %get3A_306] {strides = array<i32>} : memref<16x512xf32, #tpu.memory_space<vmem>>, vector<16xf32>,
      %add3A_308 = arith.addf %get3A_301, %get3A_307 : vector<16xf32>
      %mul3A_309 = arith.constant 16 : i32
      %mul3A_310 = arith.muli %scan3A_298, %mul3A_309 : i32
      %swap3A = arith.index_cast %mul3A_310 : i32 to index
      %swap3A_311 = tpu.vector_load %arg11[%swap3A] {strides = array<i32>} : memref<512xf32, #tpu.memory_space<vmem>>, vector<16xf32>,
      tpu.vector_store %arg11[%swap3A], %add3A_308 {strides = array<i32>} : memref<512xf32, #tpu.memory_space<vmem>>, vector<16xf32>,
    }
    %scan3A_207 = arith.constant 32 : i32
    %scan3A_208 = arith.constant 0 : i32
    %scan3A_209 = arith.constant 0 : i32
    %scan3A_210 = arith.constant 32 : i32
    %scan3A_211 = arith.addi %scan3A_209, %scan3A_210 : i32
    %scan3A_212 = arith.constant 1 : i32
    scf.for %scan3A_298 = %scan3A_209 to %scan3A_211 step %scan3A_212  : i32 {
      %mul3A_299 = arith.constant 16 : i32
      %mul3A_300 = arith.muli %scan3A_298, %mul3A_299 : i32
      %get3A = arith.index_cast %mul3A_300 : i32 to index
      %get3A_301 = tpu.vector_load %arg11[%get3A] {strides = array<i32>} : memref<512xf32, #tpu.memory_space<vmem>>, vector<16xf32>,
      %mul3A_302 = arith.constant 16 : i32
      %mul3A_303 = arith.muli %scan3A_298, %mul3A_302 : i32
      %get3A_304 = arith.constant 1 : i32
      %get3A_305 = arith.index_cast %get3A_304 : i32 to index
      %get3A_306 = arith.index_cast %mul3A_303 : i32 to index
      %get3A_307 = tpu.vector_load %arg10[%get3A_305, %get3A_306] {strides = array<i32>} : memref<16x512xf32, #tpu.memory_space<vmem>>, vector<16xf32>,
      %add3A_308 = arith.addf %get3A_301, %get3A_307 : vector<16xf32>
      %mul3A_309 = arith.constant 16 : i32
      %mul3A_310 = arith.muli %scan3A_298, %mul3A_309 : i32
      %swap3A = arith.index_cast %mul3A_310 : i32 to index
      %swap3A_311 = tpu.vector_load %arg11[%swap3A] {strides = array<i32>} : memref<512xf32, #tpu.memory_space<vmem>>, vector<16xf32>,
      tpu.vector_store %arg11[%swap3A], %add3A_308 {strides = array<i32>} : memref<512xf32, #tpu.memory_space<vmem>>, vector<16xf32>,
    }
    %scan3A_213 = arith.constant 32 : i32
    %scan3A_214 = arith.constant 0 : i32
    %scan3A_215 = arith.constant 0 : i32
    %scan3A_216 = arith.constant 32 : i32
    %scan3A_217 = arith.addi %scan3A_215, %scan3A_216 : i32
    %scan3A_218 = arith.constant 1 : i32
    scf.for %scan3A_298 = %scan3A_215 to %scan3A_217 step %scan3A_218  : i32 {
      %mul3A_299 = arith.constant 16 : i32
      %mul3A_300 = arith.muli %scan3A_298, %mul3A_299 : i32
      %get3A = arith.index_cast %mul3A_300 : i32 to index
      %get3A_301 = tpu.vector_load %arg11[%get3A] {strides = array<i32>} : memref<512xf32, #tpu.memory_space<vmem>>, vector<16xf32>,
      %mul3A_302 = arith.constant 16 : i32
      %mul3A_303 = arith.muli %scan3A_298, %mul3A_302 : i32
      %get3A_304 = arith.constant 2 : i32
      %get3A_305 = arith.index_cast %get3A_304 : i32 to index
      %get3A_306 = arith.index_cast %mul3A_303 : i32 to index
      %get3A_307 = tpu.vector_load %arg10[%get3A_305, %get3A_306] {strides = array<i32>} : memref<16x512xf32, #tpu.memory_space<vmem>>, vector<16xf32>,
      %add3A_308 = arith.addf %get3A_301, %get3A_307 : vector<16xf32>
      %mul3A_309 = arith.constant 16 : i32
      %mul3A_310 = arith.muli %scan3A_298, %mul3A_309 : i32
      %swap3A = arith.index_cast %mul3A_310 : i32 to index
      %swap3A_311 = tpu.vector_load %arg11[%swap3A] {strides = array<i32>} : memref<512xf32, #tpu.memory_space<vmem>>, vector<16xf32>,
      tpu.vector_store %arg11[%swap3A], %add3A_308 {strides = array<i32>} : memref<512xf32, #tpu.memory_space<vmem>>, vector<16xf32>,
    }
    %scan3A_219 = arith.constant 32 : i32
    %scan3A_220 = arith.constant 0 : i32
    %scan3A_221 = arith.constant 0 : i32
    %scan3A_222 = arith.constant 32 : i32
    %scan3A_223 = arith.addi %scan3A_221, %scan3A_222 : i32
    %scan3A_224 = arith.constant 1 : i32
    scf.for %scan3A_298 = %scan3A_221 to %scan3A_223 step %scan3A_224  : i32 {
      %mul3A_299 = arith.constant 16 : i32
      %mul3A_300 = arith.muli %scan3A_298, %mul3A_299 : i32
      %get3A = arith.index_cast %mul3A_300 : i32 to index
      %get3A_301 = tpu.vector_load %arg11[%get3A] {strides = array<i32>} : memref<512xf32, #tpu.memory_space<vmem>>, vector<16xf32>,
      %mul3A_302 = arith.constant 16 : i32
      %mul3A_303 = arith.muli %scan3A_298, %mul3A_302 : i32
      %get3A_304 = arith.constant 3 : i32
      %get3A_305 = arith.index_cast %get3A_304 : i32 to index
      %get3A_306 = arith.index_cast %mul3A_303 : i32 to index
      %get3A_307 = tpu.vector_load %arg10[%get3A_305, %get3A_306] {strides = array<i32>} : memref<16x512xf32, #tpu.memory_space<vmem>>, vector<16xf32>,
      %add3A_308 = arith.addf %get3A_301, %get3A_307 : vector<16xf32>
      %mul3A_309 = arith.constant 16 : i32
      %mul3A_310 = arith.muli %scan3A_298, %mul3A_309 : i32
      %swap3A = arith.index_cast %mul3A_310 : i32 to index
      %swap3A_311 = tpu.vector_load %arg11[%swap3A] {strides = array<i32>} : memref<512xf32, #tpu.memory_space<vmem>>, vector<16xf32>,
      tpu.vector_store %arg11[%swap3A], %add3A_308 {strides = array<i32>} : memref<512xf32, #tpu.memory_space<vmem>>, vector<16xf32>,
    }
    %scan3A_225 = arith.constant 32 : i32
    %scan3A_226 = arith.constant 0 : i32
    %scan3A_227 = arith.constant 0 : i32
    %scan3A_228 = arith.constant 32 : i32
    %scan3A_229 = arith.addi %scan3A_227, %scan3A_228 : i32
    %scan3A_230 = arith.constant 1 : i32
    scf.for %scan3A_298 = %scan3A_227 to %scan3A_229 step %scan3A_230  : i32 {
      %mul3A_299 = arith.constant 16 : i32
      %mul3A_300 = arith.muli %scan3A_298, %mul3A_299 : i32
      %get3A = arith.index_cast %mul3A_300 : i32 to index
      %get3A_301 = tpu.vector_load %arg11[%get3A] {strides = array<i32>} : memref<512xf32, #tpu.memory_space<vmem>>, vector<16xf32>,
      %mul3A_302 = arith.constant 16 : i32
      %mul3A_303 = arith.muli %scan3A_298, %mul3A_302 : i32
      %get3A_304 = arith.constant 4 : i32
      %get3A_305 = arith.index_cast %get3A_304 : i32 to index
      %get3A_306 = arith.index_cast %mul3A_303 : i32 to index
      %get3A_307 = tpu.vector_load %arg10[%get3A_305, %get3A_306] {strides = array<i32>} : memref<16x512xf32, #tpu.memory_space<vmem>>, vector<16xf32>,
      %add3A_308 = arith.addf %get3A_301, %get3A_307 : vector<16xf32>
      %mul3A_309 = arith.constant 16 : i32
      %mul3A_310 = arith.muli %scan3A_298, %mul3A_309 : i32
      %swap3A = arith.index_cast %mul3A_310 : i32 to index
      %swap3A_311 = tpu.vector_load %arg11[%swap3A] {strides = array<i32>} : memref<512xf32, #tpu.memory_space<vmem>>, vector<16xf32>,
      tpu.vector_store %arg11[%swap3A], %add3A_308 {strides = array<i32>} : memref<512xf32, #tpu.memory_space<vmem>>, vector<16xf32>,
    }
    %scan3A_231 = arith.constant 32 : i32
    %scan3A_232 = arith.constant 0 : i32
    %scan3A_233 = arith.constant 0 : i32
    %scan3A_234 = arith.constant 32 : i32
    %scan3A_235 = arith.addi %scan3A_233, %scan3A_234 : i32
    %scan3A_236 = arith.constant 1 : i32
    scf.for %scan3A_298 = %scan3A_233 to %scan3A_235 step %scan3A_236  : i32 {
      %mul3A_299 = arith.constant 16 : i32
      %mul3A_300 = arith.muli %scan3A_298, %mul3A_299 : i32
      %get3A = arith.index_cast %mul3A_300 : i32 to index
      %get3A_301 = tpu.vector_load %arg11[%get3A] {strides = array<i32>} : memref<512xf32, #tpu.memory_space<vmem>>, vector<16xf32>,
      %mul3A_302 = arith.constant 16 : i32
      %mul3A_303 = arith.muli %scan3A_298, %mul3A_302 : i32
      %get3A_304 = arith.constant 5 : i32
      %get3A_305 = arith.index_cast %get3A_304 : i32 to index
      %get3A_306 = arith.index_cast %mul3A_303 : i32 to index
      %get3A_307 = tpu.vector_load %arg10[%get3A_305, %get3A_306] {strides = array<i32>} : memref<16x512xf32, #tpu.memory_space<vmem>>, vector<16xf32>,
      %add3A_308 = arith.addf %get3A_301, %get3A_307 : vector<16xf32>
      %mul3A_309 = arith.constant 16 : i32
      %mul3A_310 = arith.muli %scan3A_298, %mul3A_309 : i32
      %swap3A = arith.index_cast %mul3A_310 : i32 to index
      %swap3A_311 = tpu.vector_load %arg11[%swap3A] {strides = array<i32>} : memref<512xf32, #tpu.memory_space<vmem>>, vector<16xf32>,
      tpu.vector_store %arg11[%swap3A], %add3A_308 {strides = array<i32>} : memref<512xf32, #tpu.memory_space<vmem>>, vector<16xf32>,
    }
    %scan3A_237 = arith.constant 32 : i32
    %scan3A_238 = arith.constant 0 : i32
    %scan3A_239 = arith.constant 0 : i32
    %scan3A_240 = arith.constant 32 : i32
    %scan3A_241 = arith.addi %scan3A_239, %scan3A_240 : i32
    %scan3A_242 = arith.constant 1 : i32
    scf.for %scan3A_298 = %scan3A_239 to %scan3A_241 step %scan3A_242  : i32 {
      %mul3A_299 = arith.constant 16 : i32
      %mul3A_300 = arith.muli %scan3A_298, %mul3A_299 : i32
      %get3A = arith.index_cast %mul3A_300 : i32 to index
      %get3A_301 = tpu.vector_load %arg11[%get3A] {strides = array<i32>} : memref<512xf32, #tpu.memory_space<vmem>>, vector<16xf32>,
      %mul3A_302 = arith.constant 16 : i32
      %mul3A_303 = arith.muli %scan3A_298, %mul3A_302 : i32
      %get3A_304 = arith.constant 6 : i32
      %get3A_305 = arith.index_cast %get3A_304 : i32 to index
      %get3A_306 = arith.index_cast %mul3A_303 : i32 to index
      %get3A_307 = tpu.vector_load %arg10[%get3A_305, %get3A_306] {strides = array<i32>} : memref<16x512xf32, #tpu.memory_space<vmem>>, vector<16xf32>,
      %add3A_308 = arith.addf %get3A_301, %get3A_307 : vector<16xf32>
      %mul3A_309 = arith.constant 16 : i32
      %mul3A_310 = arith.muli %scan3A_298, %mul3A_309 : i32
      %swap3A = arith.index_cast %mul3A_310 : i32 to index
      %swap3A_311 = tpu.vector_load %arg11[%swap3A] {strides = array<i32>} : memref<512xf32, #tpu.memory_space<vmem>>, vector<16xf32>,
      tpu.vector_store %arg11[%swap3A], %add3A_308 {strides = array<i32>} : memref<512xf32, #tpu.memory_space<vmem>>, vector<16xf32>,
    }
    %scan3A_243 = arith.constant 32 : i32
    %scan3A_244 = arith.constant 0 : i32
    %scan3A_245 = arith.constant 0 : i32
    %scan3A_246 = arith.constant 32 : i32
    %scan3A_247 = arith.addi %scan3A_245, %scan3A_246 : i32
    %scan3A_248 = arith.constant 1 : i32
    scf.for %scan3A_298 = %scan3A_245 to %scan3A_247 step %scan3A_248  : i32 {
      %mul3A_299 = arith.constant 16 : i32
      %mul3A_300 = arith.muli %scan3A_298, %mul3A_299 : i32
      %get3A = arith.index_cast %mul3A_300 : i32 to index
      %get3A_301 = tpu.vector_load %arg11[%get3A] {strides = array<i32>} : memref<512xf32, #tpu.memory_space<vmem>>, vector<16xf32>,
      %mul3A_302 = arith.constant 16 : i32
      %mul3A_303 = arith.muli %scan3A_298, %mul3A_302 : i32
      %get3A_304 = arith.constant 7 : i32
      %get3A_305 = arith.index_cast %get3A_304 : i32 to index
      %get3A_306 = arith.index_cast %mul3A_303 : i32 to index
      %get3A_307 = tpu.vector_load %arg10[%get3A_305, %get3A_306] {strides = array<i32>} : memref<16x512xf32, #tpu.memory_space<vmem>>, vector<16xf32>,
      %add3A_308 = arith.addf %get3A_301, %get3A_307 : vector<16xf32>
      %mul3A_309 = arith.constant 16 : i32
      %mul3A_310 = arith.muli %scan3A_298, %mul3A_309 : i32
      %swap3A = arith.index_cast %mul3A_310 : i32 to index
      %swap3A_311 = tpu.vector_load %arg11[%swap3A] {strides = array<i32>} : memref<512xf32, #tpu.memory_space<vmem>>, vector<16xf32>,
      tpu.vector_store %arg11[%swap3A], %add3A_308 {strides = array<i32>} : memref<512xf32, #tpu.memory_space<vmem>>, vector<16xf32>,
    }
    %scan3A_249 = arith.constant 32 : i32
    %scan3A_250 = arith.constant 0 : i32
    %scan3A_251 = arith.constant 0 : i32
    %scan3A_252 = arith.constant 32 : i32
    %scan3A_253 = arith.addi %scan3A_251, %scan3A_252 : i32
    %scan3A_254 = arith.constant 1 : i32
    scf.for %scan3A_298 = %scan3A_251 to %scan3A_253 step %scan3A_254  : i32 {
      %mul3A_299 = arith.constant 16 : i32
      %mul3A_300 = arith.muli %scan3A_298, %mul3A_299 : i32
      %get3A = arith.index_cast %mul3A_300 : i32 to index
      %get3A_301 = tpu.vector_load %arg11[%get3A] {strides = array<i32>} : memref<512xf32, #tpu.memory_space<vmem>>, vector<16xf32>,
      %mul3A_302 = arith.constant 16 : i32
      %mul3A_303 = arith.muli %scan3A_298, %mul3A_302 : i32
      %get3A_304 = arith.constant 8 : i32
      %get3A_305 = arith.index_cast %get3A_304 : i32 to index
      %get3A_306 = arith.index_cast %mul3A_303 : i32 to index
      %get3A_307 = tpu.vector_load %arg10[%get3A_305, %get3A_306] {strides = array<i32>} : memref<16x512xf32, #tpu.memory_space<vmem>>, vector<16xf32>,
      %add3A_308 = arith.addf %get3A_301, %get3A_307 : vector<16xf32>
      %mul3A_309 = arith.constant 16 : i32
      %mul3A_310 = arith.muli %scan3A_298, %mul3A_309 : i32
      %swap3A = arith.index_cast %mul3A_310 : i32 to index
      %swap3A_311 = tpu.vector_load %arg11[%swap3A] {strides = array<i32>} : memref<512xf32, #tpu.memory_space<vmem>>, vector<16xf32>,
      tpu.vector_store %arg11[%swap3A], %add3A_308 {strides = array<i32>} : memref<512xf32, #tpu.memory_space<vmem>>, vector<16xf32>,
    }
    %scan3A_255 = arith.constant 32 : i32
    %scan3A_256 = arith.constant 0 : i32
    %scan3A_257 = arith.constant 0 : i32
    %scan3A_258 = arith.constant 32 : i32
    %scan3A_259 = arith.addi %scan3A_257, %scan3A_258 : i32
    %scan3A_260 = arith.constant 1 : i32
    scf.for %scan3A_298 = %scan3A_257 to %scan3A_259 step %scan3A_260  : i32 {
      %mul3A_299 = arith.constant 16 : i32
      %mul3A_300 = arith.muli %scan3A_298, %mul3A_299 : i32
      %get3A = arith.index_cast %mul3A_300 : i32 to index
      %get3A_301 = tpu.vector_load %arg11[%get3A] {strides = array<i32>} : memref<512xf32, #tpu.memory_space<vmem>>, vector<16xf32>,
      %mul3A_302 = arith.constant 16 : i32
      %mul3A_303 = arith.muli %scan3A_298, %mul3A_302 : i32
      %get3A_304 = arith.constant 9 : i32
      %get3A_305 = arith.index_cast %get3A_304 : i32 to index
      %get3A_306 = arith.index_cast %mul3A_303 : i32 to index
      %get3A_307 = tpu.vector_load %arg10[%get3A_305, %get3A_306] {strides = array<i32>} : memref<16x512xf32, #tpu.memory_space<vmem>>, vector<16xf32>,
      %add3A_308 = arith.addf %get3A_301, %get3A_307 : vector<16xf32>
      %mul3A_309 = arith.constant 16 : i32
      %mul3A_310 = arith.muli %scan3A_298, %mul3A_309 : i32
      %swap3A = arith.index_cast %mul3A_310 : i32 to index
      %swap3A_311 = tpu.vector_load %arg11[%swap3A] {strides = array<i32>} : memref<512xf32, #tpu.memory_space<vmem>>, vector<16xf32>,
      tpu.vector_store %arg11[%swap3A], %add3A_308 {strides = array<i32>} : memref<512xf32, #tpu.memory_space<vmem>>, vector<16xf32>,
    }
    %scan3A_261 = arith.constant 32 : i32
    %scan3A_262 = arith.constant 0 : i32
    %scan3A_263 = arith.constant 0 : i32
    %scan3A_264 = arith.constant 32 : i32
    %scan3A_265 = arith.addi %scan3A_263, %scan3A_264 : i32
    %scan3A_266 = arith.constant 1 : i32
    scf.for %scan3A_298 = %scan3A_263 to %scan3A_265 step %scan3A_266  : i32 {
      %mul3A_299 = arith.constant 16 : i32
      %mul3A_300 = arith.muli %scan3A_298, %mul3A_299 : i32
      %get3A = arith.index_cast %mul3A_300 : i32 to index
      %get3A_301 = tpu.vector_load %arg11[%get3A] {strides = array<i32>} : memref<512xf32, #tpu.memory_space<vmem>>, vector<16xf32>,
      %mul3A_302 = arith.constant 16 : i32
      %mul3A_303 = arith.muli %scan3A_298, %mul3A_302 : i32
      %get3A_304 = arith.constant 10 : i32
      %get3A_305 = arith.index_cast %get3A_304 : i32 to index
      %get3A_306 = arith.index_cast %mul3A_303 : i32 to index
      %get3A_307 = tpu.vector_load %arg10[%get3A_305, %get3A_306] {strides = array<i32>} : memref<16x512xf32, #tpu.memory_space<vmem>>, vector<16xf32>,
      %add3A_308 = arith.addf %get3A_301, %get3A_307 : vector<16xf32>
      %mul3A_309 = arith.constant 16 : i32
      %mul3A_310 = arith.muli %scan3A_298, %mul3A_309 : i32
      %swap3A = arith.index_cast %mul3A_310 : i32 to index
      %swap3A_311 = tpu.vector_load %arg11[%swap3A] {strides = array<i32>} : memref<512xf32, #tpu.memory_space<vmem>>, vector<16xf32>,
      tpu.vector_store %arg11[%swap3A], %add3A_308 {strides = array<i32>} : memref<512xf32, #tpu.memory_space<vmem>>, vector<16xf32>,
    }
    %scan3A_267 = arith.constant 32 : i32
    %scan3A_268 = arith.constant 0 : i32
    %scan3A_269 = arith.constant 0 : i32
    %scan3A_270 = arith.constant 32 : i32
    %scan3A_271 = arith.addi %scan3A_269, %scan3A_270 : i32
    %scan3A_272 = arith.constant 1 : i32
    scf.for %scan3A_298 = %scan3A_269 to %scan3A_271 step %scan3A_272  : i32 {
      %mul3A_299 = arith.constant 16 : i32
      %mul3A_300 = arith.muli %scan3A_298, %mul3A_299 : i32
      %get3A = arith.index_cast %mul3A_300 : i32 to index
      %get3A_301 = tpu.vector_load %arg11[%get3A] {strides = array<i32>} : memref<512xf32, #tpu.memory_space<vmem>>, vector<16xf32>,
      %mul3A_302 = arith.constant 16 : i32
      %mul3A_303 = arith.muli %scan3A_298, %mul3A_302 : i32
      %get3A_304 = arith.constant 11 : i32
      %get3A_305 = arith.index_cast %get3A_304 : i32 to index
      %get3A_306 = arith.index_cast %mul3A_303 : i32 to index
      %get3A_307 = tpu.vector_load %arg10[%get3A_305, %get3A_306] {strides = array<i32>} : memref<16x512xf32, #tpu.memory_space<vmem>>, vector<16xf32>,
      %add3A_308 = arith.addf %get3A_301, %get3A_307 : vector<16xf32>
      %mul3A_309 = arith.constant 16 : i32
      %mul3A_310 = arith.muli %scan3A_298, %mul3A_309 : i32
      %swap3A = arith.index_cast %mul3A_310 : i32 to index
      %swap3A_311 = tpu.vector_load %arg11[%swap3A] {strides = array<i32>} : memref<512xf32, #tpu.memory_space<vmem>>, vector<16xf32>,
      tpu.vector_store %arg11[%swap3A], %add3A_308 {strides = array<i32>} : memref<512xf32, #tpu.memory_space<vmem>>, vector<16xf32>,
    }
    %scan3A_273 = arith.constant 32 : i32
    %scan3A_274 = arith.constant 0 : i32
    %scan3A_275 = arith.constant 0 : i32
    %scan3A_276 = arith.constant 32 : i32
    %scan3A_277 = arith.addi %scan3A_275, %scan3A_276 : i32
    %scan3A_278 = arith.constant 1 : i32
    scf.for %scan3A_298 = %scan3A_275 to %scan3A_277 step %scan3A_278  : i32 {
      %mul3A_299 = arith.constant 16 : i32
      %mul3A_300 = arith.muli %scan3A_298, %mul3A_299 : i32
      %get3A = arith.index_cast %mul3A_300 : i32 to index
      %get3A_301 = tpu.vector_load %arg11[%get3A] {strides = array<i32>} : memref<512xf32, #tpu.memory_space<vmem>>, vector<16xf32>,
      %mul3A_302 = arith.constant 16 : i32
      %mul3A_303 = arith.muli %scan3A_298, %mul3A_302 : i32
      %get3A_304 = arith.constant 12 : i32
      %get3A_305 = arith.index_cast %get3A_304 : i32 to index
      %get3A_306 = arith.index_cast %mul3A_303 : i32 to index
      %get3A_307 = tpu.vector_load %arg10[%get3A_305, %get3A_306] {strides = array<i32>} : memref<16x512xf32, #tpu.memory_space<vmem>>, vector<16xf32>,
      %add3A_308 = arith.addf %get3A_301, %get3A_307 : vector<16xf32>
      %mul3A_309 = arith.constant 16 : i32
      %mul3A_310 = arith.muli %scan3A_298, %mul3A_309 : i32
      %swap3A = arith.index_cast %mul3A_310 : i32 to index
      %swap3A_311 = tpu.vector_load %arg11[%swap3A] {strides = array<i32>} : memref<512xf32, #tpu.memory_space<vmem>>, vector<16xf32>,
      tpu.vector_store %arg11[%swap3A], %add3A_308 {strides = array<i32>} : memref<512xf32, #tpu.memory_space<vmem>>, vector<16xf32>,
    }
    %scan3A_279 = arith.constant 32 : i32
    %scan3A_280 = arith.constant 0 : i32
    %scan3A_281 = arith.constant 0 : i32
    %scan3A_282 = arith.constant 32 : i32
    %scan3A_283 = arith.addi %scan3A_281, %scan3A_282 : i32
    %scan3A_284 = arith.constant 1 : i32
    scf.for %scan3A_298 = %scan3A_281 to %scan3A_283 step %scan3A_284  : i32 {
      %mul3A_299 = arith.constant 16 : i32
      %mul3A_300 = arith.muli %scan3A_298, %mul3A_299 : i32
      %get3A = arith.index_cast %mul3A_300 : i32 to index
      %get3A_301 = tpu.vector_load %arg11[%get3A] {strides = array<i32>} : memref<512xf32, #tpu.memory_space<vmem>>, vector<16xf32>,
      %mul3A_302 = arith.constant 16 : i32
      %mul3A_303 = arith.muli %scan3A_298, %mul3A_302 : i32
      %get3A_304 = arith.constant 13 : i32
      %get3A_305 = arith.index_cast %get3A_304 : i32 to index
      %get3A_306 = arith.index_cast %mul3A_303 : i32 to index
      %get3A_307 = tpu.vector_load %arg10[%get3A_305, %get3A_306] {strides = array<i32>} : memref<16x512xf32, #tpu.memory_space<vmem>>, vector<16xf32>,
      %add3A_308 = arith.addf %get3A_301, %get3A_307 : vector<16xf32>
      %mul3A_309 = arith.constant 16 : i32
      %mul3A_310 = arith.muli %scan3A_298, %mul3A_309 : i32
      %swap3A = arith.index_cast %mul3A_310 : i32 to index
      %swap3A_311 = tpu.vector_load %arg11[%swap3A] {strides = array<i32>} : memref<512xf32, #tpu.memory_space<vmem>>, vector<16xf32>,
      tpu.vector_store %arg11[%swap3A], %add3A_308 {strides = array<i32>} : memref<512xf32, #tpu.memory_space<vmem>>, vector<16xf32>,
    }
    %scan3A_285 = arith.constant 32 : i32
    %scan3A_286 = arith.constant 0 : i32
    %scan3A_287 = arith.constant 0 : i32
    %scan3A_288 = arith.constant 32 : i32
    %scan3A_289 = arith.addi %scan3A_287, %scan3A_288 : i32
    %scan3A_290 = arith.constant 1 : i32
    scf.for %scan3A_298 = %scan3A_287 to %scan3A_289 step %scan3A_290  : i32 {
      %mul3A_299 = arith.constant 16 : i32
      %mul3A_300 = arith.muli %scan3A_298, %mul3A_299 : i32
      %get3A = arith.index_cast %mul3A_300 : i32 to index
      %get3A_301 = tpu.vector_load %arg11[%get3A] {strides = array<i32>} : memref<512xf32, #tpu.memory_space<vmem>>, vector<16xf32>,
      %mul3A_302 = arith.constant 16 : i32
      %mul3A_303 = arith.muli %scan3A_298, %mul3A_302 : i32
      %get3A_304 = arith.constant 14 : i32
      %get3A_305 = arith.index_cast %get3A_304 : i32 to index
      %get3A_306 = arith.index_cast %mul3A_303 : i32 to index
      %get3A_307 = tpu.vector_load %arg10[%get3A_305, %get3A_306] {strides = array<i32>} : memref<16x512xf32, #tpu.memory_space<vmem>>, vector<16xf32>,
      %add3A_308 = arith.addf %get3A_301, %get3A_307 : vector<16xf32>
      %mul3A_309 = arith.constant 16 : i32
      %mul3A_310 = arith.muli %scan3A_298, %mul3A_309 : i32
      %swap3A = arith.index_cast %mul3A_310 : i32 to index
      %swap3A_311 = tpu.vector_load %arg11[%swap3A] {strides = array<i32>} : memref<512xf32, #tpu.memory_space<vmem>>, vector<16xf32>,
      tpu.vector_store %arg11[%swap3A], %add3A_308 {strides = array<i32>} : memref<512xf32, #tpu.memory_space<vmem>>, vector<16xf32>,
    }
    %scan3A_291 = arith.constant 32 : i32
    %scan3A_292 = arith.constant 0 : i32
    %scan3A_293 = arith.constant 0 : i32
    %scan3A_294 = arith.constant 32 : i32
    %scan3A_295 = arith.addi %scan3A_293, %scan3A_294 : i32
    %scan3A_296 = arith.constant 1 : i32
    scf.for %scan3A_298 = %scan3A_293 to %scan3A_295 step %scan3A_296  : i32 {
      %mul3A_299 = arith.constant 16 : i32
      %mul3A_300 = arith.muli %scan3A_298, %mul3A_299 : i32
      %get3A = arith.index_cast %mul3A_300 : i32 to index
      %get3A_301 = tpu.vector_load %arg11[%get3A] {strides = array<i32>} : memref<512xf32, #tpu.memory_space<vmem>>, vector<16xf32>,
      %mul3A_302 = arith.constant 16 : i32
      %mul3A_303 = arith.muli %scan3A_298, %mul3A_302 : i32
      %get3A_304 = arith.constant 15 : i32
      %get3A_305 = arith.index_cast %get3A_304 : i32 to index
      %get3A_306 = arith.index_cast %mul3A_303 : i32 to index
      %get3A_307 = tpu.vector_load %arg10[%get3A_305, %get3A_306] {strides = array<i32>} : memref<16x512xf32, #tpu.memory_space<vmem>>, vector<16xf32>,
      %add3A_308 = arith.addf %get3A_301, %get3A_307 : vector<16xf32>
      %mul3A_309 = arith.constant 16 : i32
      %mul3A_310 = arith.muli %scan3A_298, %mul3A_309 : i32
      %swap3A = arith.index_cast %mul3A_310 : i32 to index
      %swap3A_311 = tpu.vector_load %arg11[%swap3A] {strides = array<i32>} : memref<512xf32, #tpu.memory_space<vmem>>, vector<16xf32>,
      tpu.vector_store %arg11[%swap3A], %add3A_308 {strides = array<i32>} : memref<512xf32, #tpu.memory_space<vmem>>, vector<16xf32>,
    }
    %scan3A_297 = arith.constant 32 : i32
    "tpu.region"() ({
      %run_scoped3A = tpu.sem_alloc : memref<!tpu.dma_semaphore, #tpu.memory_space<semaphore_mem>>
      %dma_start3A_298 = tpu.memref_slice %arg5[%mul3A_195] : memref<8192xf32, #tpu.memory_space<hbm>> -> memref<512xf32, #tpu.memory_space<hbm>>
      %dma_start3A_299 = tpu.memref_slice %arg5[%mul3A_195] : memref<8192xf32, #tpu.memory_space<hbm>> -> memref<512xf32, #tpu.memory_space<hbm>>
      tpu.enqueue_dma source(%arg11 : memref<512xf32, #tpu.memory_space<vmem>>) target(%dma_start3A_299 : memref<512xf32, #tpu.memory_space<hbm>>) target_semaphore(%run_scoped3A : memref<!tpu.dma_semaphore, #tpu.memory_space<semaphore_mem>>)
      %dma_wait3A_300 = tpu.memref_slice %arg5[%mul3A_195] : memref<8192xf32, #tpu.memory_space<hbm>> -> memref<512xf32, #tpu.memory_space<hbm>>
      %dma_wait3A_301 = tpu.memref_slice %arg5[%mul3A_195] : memref<8192xf32, #tpu.memory_space<hbm>> -> memref<512xf32, #tpu.memory_space<hbm>>
      tpu.wait_dma2 semaphore(%run_scoped3A : memref<!tpu.dma_semaphore, #tpu.memory_space<semaphore_mem>>) src(%arg11 : memref<512xf32, #tpu.memory_space<vmem>>) dst(%dma_wait3A_301 : memref<512xf32, #tpu.memory_space<hbm>>)
      tpu.yield
    }) : () -> ()
    return
  }
}

</mosaic_0001>

<sc_bundles>
// kernel: kernel.3.cloned.1.call-start
scs
__scs_entry_jumppad:
0x0: {  	(pc) =	sbr.rel $0x88, $3  }
0x1: {  	(tag) =	ssettag $0x0;
	lr =	simm.s32 $0x1  }
0x2: {  	[smem:$0x3F9E] =	sst lr;
	_ =	strace $0xD0000000  }
0x3: {  	_ = 	snop  }
0x4: {  	_ = 	snop  }
0x5: {  	_ = 	snop  }
0x6: {  	_ = 	snop  }
0x7: {  	_ = 	snop  }
__scs_overlays_trampoline_lowered:
0x8: {  	[smem:$0x3FAD] =	sst s0  }
0x9: {  	[smem:$0x3FAE] =	sst s1  }
0xa: {  	[smem:$0x3FAF] =	sst s2  }
0xb: {  	[smem:$0x3FB0] =	sst s3  }
0xc: {  	[smem:$0x3FB1] =	sst s4  }
0xd: {  	[smem:$0x3FB2] =	sst s5  }
0xe: {  	[smem:$0x3FB3] =	sst s6  }
0xf: {  	[smem:$0x3FB4] =	sst s7  }
0x10: {  	[smem:$0x3FB5] =	sst s8  }
0x11: {  	[smem:$0x3FB6] =	sst s9;
	s0 =	simm.s32 @!p0 $0x0  }
0x12: {  	s1 =	sld [smem:$0x3F9C];
	s0 =	simm.s32 @p0 $0x1  }
0x13: {  	[smem:$0x3FB7] =	sst s0;
	s0 =	simm.s32 @!p1 $0x0  }
0x14: {  	s2 =	sld [smem:$0x3F9B];
	s0 =	simm.s32 @p1 $0x1  }
0x15: {  	[smem:$0x3FB8] =	sst s0;
	s0 =	simm.s32 @!p2 $0x0  }
0x16: {  	s3 =	sld [smem:$0x3FDB];
	s0 =	simm.s32 @p2 $0x1  }
0x17: {  	s4 =	simm.s32 $0x1BF5;
	[smem:$0x3FBA] =	sst s0  }
0x18: {  	s0 =	sld [smem:$0x3F9D];
	_ =	swait.ge [sflag:s4], $0x0  }
0x19: {  	s7 =	sld [smem:$0x3F9E]  }
0x1a: {  	s8 =	sadd.s32 $0xFFFFE003, lr  }
0x1b: {  	s9 =	sadd.s32 $0xFFFFFEF7, lr;
	s5 =	simm.s32 $0xFFFFFFFF;
	p2 =	slt.u32 s8, $0xFFFFF086  }
0x1c: {  	p1 =	slt.u32 s9, $0xF7A;
	s5 =	simm.s32 @!p2 $0x0  }
0x1d: {  	s5 =	simm.s32 @p1 $0x1;
	p0 =	seq.s32 s7, s2  }
0x1e: {  	s7 =	smul.u32 @!p0 $0xF7A, s2;
	p2 =	seq.s32 @!p0 s5, $0x0  }
0x1f: {  	s9 =	smul.u32 $0xF7A, s1;
	s8 =	simm.s32 @!p0 $0x1BF5;
	p2 =	por !p2, p0  }
0x20: {  	[sflag:s8] =	ssyncset.s32 @!p0 $0xFFFFF086;
	s6 =	sadd.s32 @!p0 s3, s7;
	s7 =	simm.s32 @!p0 $0x108  }
0x21: {  	s3 =	sadd.s32 s3, s9;
	s6 =	sadd.s32 @!p0 $0x88, s6;
	s7 =	simm.s32 @p2 $0x1082  }
0x22: {  	[simem:s7], [sflag:s8] =	dma.local @!p0 [hbm:s6], $0xF7A  }
0x23: {  	s9 =	sor.u32 $0xD0000000, s2;
	s6 =	simm.s32 $0x108;
	_ =	swait.ge @!p0 [sflag:s8], $0x0  }
0x24: {  	s3 =	sadd.s32 $0x88, s3;
	s6 =	simm.s32 @!p1 $0x1082;
	[sflag:s4] =	ssyncset.s32 $0xFFFFF086  }
0x25: {  	[simem:s6], [sflag:s4] =	dma.local [hbm:s3], $0xF7A  }
0x26: {  	[smem:$0x3F9E] =	sst s1;
	(tag) =	ssettag s2;
	_ =	strace s9  }
0x27: {  	s1 =	sld [smem:$0x3FAE]  }
0x28: {  	s2 =	sld [smem:$0x3FAF]  }
0x29: {  	s4 =	sld [smem:$0x3FB1]  }
0x2a: {  	p0 =	seq.s32 s5, $0x0;
	s5 =	sld [smem:$0x3FB2]  }
0x2b: {  	s6 =	sld [smem:$0x3FB3]  }
0x2c: {  	s7 =	sld [smem:$0x3FB4]  }
0x2d: {  	s3 =	simm.s32 $0x108;
	s8 =	sld [smem:$0x3FB5]  }
0x2e: {  	s3 =	simm.s32 @!p0 $0x1082;
	s9 =	sld [smem:$0x3FB6]  }
0x2f: {  	lr =	sadd.s32 s0, s3;
	s0 =	sld [smem:$0x3FAD]  }
0x30: {  	s3 =	sld [smem:$0x3FB0]  }
0x31: {  	[smem:$0x3FB9] =	sst s10  }
0x32: {  	s10 =	sld [smem:$0x3FB7];
	_ =	sdelay $0x3  }
0x33: {  	p0 =	seq.s32 s10, $0x1;
	s10 =	sld [smem:$0x3FB9];
	_ =	sdelay $0x3  }
0x34: {  	[smem:$0x3FB9] =	sst s10  }
0x35: {  	s10 =	sld [smem:$0x3FB8];
	_ =	sdelay $0x3  }
0x36: {  	p1 =	seq.s32 s10, $0x1;
	s10 =	sld [smem:$0x3FB9];
	_ =	sdelay $0x3  }
0x37: {  	[smem:$0x3FB9] =	sst s10  }
0x38: {  	s10 =	sld [smem:$0x3FBA]  }
0x39: {  	_ = 	snop;
	(pc) =	sbr.ind lr, $3  }
0x3a: {  	_ = 	snop  }
0x3b: {  	_ = 	snop  }
0x3c: {  	p2 =	seq.s32 s10, $0x1;
	s10 =	sld [smem:$0x3FB9]  }
0x3d: {  	_ =	shalt  }
0x3e: {  	_ =	shalt  }
0x3f: {  	_ =	shalt  }
0x40: {  	_ =	shalt  }
0x41: {  	_ =	shalt  }
0x42: {  	_ =	shalt  }
0x43: {  	_ =	shalt  }
0x44: {  	_ =	shalt  }
0x45: {  	_ =	shalt  }
0x46: {  	_ =	shalt  }
0x47: {  	_ =	shalt  }
0x48: {  	_ =	shalt  }
0x49: {  	_ =	shalt  }
0x4a: {  	_ =	shalt  }
0x4b: {  	_ =	shalt  }
0x4c: {  	_ =	shalt  }
0x4d: {  	_ =	shalt  }
0x4e: {  	_ =	shalt  }
0x4f: {  	_ =	shalt  }
0x50: {  	_ =	shalt  }
0x51: {  	_ =	shalt  }
0x52: {  	_ =	shalt  }
0x53: {  	_ =	shalt  }
0x54: {  	_ =	shalt  }
0x55: {  	_ =	shalt  }
0x56: {  	_ =	shalt  }
0x57: {  	_ =	shalt  }
0x58: {  	_ =	shalt  }
0x59: {  	_ =	shalt  }
0x5a: {  	_ =	shalt  }
0x5b: {  	_ =	shalt  }
0x5c: {  	_ =	shalt  }
0x5d: {  	_ =	shalt  }
0x5e: {  	_ =	shalt  }
0x5f: {  	_ =	shalt  }
0x60: {  	_ =	shalt  }
0x61: {  	_ =	shalt  }
0x62: {  	_ =	shalt  }
0x63: {  	_ =	shalt  }
0x64: {  	_ =	shalt  }
0x65: {  	_ =	shalt  }
0x66: {  	_ =	shalt  }
0x67: {  	_ =	shalt  }
0x68: {  	_ =	shalt  }
0x69: {  	_ =	shalt  }
0x6a: {  	_ =	shalt  }
0x6b: {  	_ =	shalt  }
0x6c: {  	_ =	shalt  }
0x6d: {  	_ =	shalt  }
0x6e: {  	_ =	shalt  }
0x6f: {  	_ =	shalt  }
0x70: {  	_ =	shalt  }
0x71: {  	_ =	shalt  }
0x72: {  	_ =	shalt  }
0x73: {  	_ =	shalt  }
0x74: {  	_ =	shalt  }
0x75: {  	_ =	shalt  }
0x76: {  	_ =	shalt  }
0x77: {  	_ =	shalt  }
0x78: {  	_ =	shalt  }
0x79: {  	_ =	shalt  }
0x7a: {  	_ =	shalt  }
0x7b: {  	_ =	shalt  }
0x7c: {  	_ =	shalt  }
0x7d: {  	_ =	shalt  }
0x7e: {  	_ =	shalt  }
0x7f: {  	_ =	shalt  }
0x80: {  	_ =	shalt  }
0x81: {  	_ =	shalt  }
0x82: {  	_ =	shalt  }
0x83: {  	_ =	shalt  }
0x84: {  	_ =	shalt  }
0x85: {  	_ =	shalt  }
0x86: {  	_ =	shalt  }
0x87: {  	_ =	shalt  }
.Lfunc_end0:
.L_simem_size_0:
called_computation_lowered:
.L_overlay_start_0:
0x88: {  	s0 =	sld [smem:$0x3FD9]  }
0x89: {  	s1 =	sld [smem:$0x3FFE];
	_ =	sdelay $0x3  }
0x8a: {  	s0 =	sadd.s32 s1, s0  }
0x8b: {  	[smem:$0x3FC5] =	sst s0  }
0x8c: {  	_ = 	snop  }
0x8d: {  	s0 =	sld [smem:$0x3FC9]  }
0x8e: {  	s17 =	sld [smem:$0x3FC8]  }
0x8f: {  	s2 =	sld [smem:$0x3FC7]  }
0x90: {  	s3 =	sld [smem:$0x3FD0];
	(tm) =	ssettm $0x1  }
0x91: {  	s4 =	sld [smem:$0x3FFB];
	_ =	sdelay $0x3  }
0x92: {  	_ =	strace s4  }
0x93: {  	s4 =	sld [smem:$0x3FFC];
	_ =	sdelay $0x3  }
0x94: {  	_ =	strace s4  }
0x95: {  	s4 =	sld [smem:$0x3FFD];
	_ =	sdelay $0x3  }
0x96: {  	_ =	strace s4  }
0x97: {  	_ =	strace $0x8FFFFFFF  }
0x98: {  	s18 =	sld [smem:$0x3FDB];
	_ =	sdelay $0x1  }
0x99: {  	s5 =	simm.s32 $_scs_section_size  }
0x9a: {  	s6 =	simm.s32 $_size__tile_overlayer_lowered;
	s7 =	simm.s32 $_tile_overlayer_lowered  }
0x9b: {  	s21 =	simm.s32 $0x1BFF;
	s20 =	sshll.u32 s7, $0x1;
	s4 =	sadd.s32 s5, s18  }
0x9c: {  	s8 =	simm.s32 $0x0;
	s19 =	sshll.u32 s6, $0x1;
	s6 =	sadd.s32 s20, s4  }
0x9d: {  	[timem:s8], [sflag:s21] =	dma.local [hbm:s6], s19  }
0x9e: {  	_ =	swait.ge [sflag:s21], s19  }
0x9f: {  	s5 =	ssub.s32 $0x0, s19;
	[sflag:s21] =	ssyncset.done $0x0  }
0xa0: {  	[sflag:s21] =	ssyncadd.s32 s5;
	_ =	sdelay $0x1  }
0xa1: {  	s22 =	simm.s32 $0x1B8B  }
0xa2: {  	_ =	swait.ge [sflag:s22], $0x1  }
0xa3: {  	[sflag:s22] =	ssyncset.done $0x0  }
0xa4: {  	s23 =	simm.s32 $0x1B8E;
	[sflag:s22] =	ssyncadd.s32 $0xFFFFFFFF  }
0xa5: {  	s24 =	simm.s32 $execute0_lowered;
	[smem:$0x3FD2] =	sst s23  }
0xa6: {  	s5 =	sshll.u32 s24, $0x1;
	_ =	strace $0x80000046;
	[dreg:$0x1] =	wrdreg $0xFFFFFFFF  }
0xa7: {  	s25 =	simm.s32 $_size_execute0_lowered;
	s4 =	sadd.s32 s4, s5;
	[dreg:$0x0] =	wrdreg $0x0  }
0xa8: {  	s5 =	sshll.u32 s25, $0x1;
	[dreg:$0x2] =	wrdreg s4  }
0xa9: {  	[dreg:$0x3] =	wrdreg s5  }
0xaa: {  	[dreg:$0x4] =	wrdreg $0xC0  }
0xab: {  	_ =	task [dreg:s8], $0x5FFFF  }
0xac: {  	[dreg:$0x1] =	wrdreg $0xFFFFFFFF  }
0xad: {  	[dreg:$0x0] =	wrdreg $0x60  }
0xae: {  	[dreg:$0x2] =	wrdreg s0  }
0xaf: {  	[dreg:$0x3] =	wrdreg s17  }
0xb0: {  	[dreg:$0x4] =	wrdreg s2  }
0xb1: {  	[dreg:$0x5] =	wrdreg s3  }
0xb2: {  	[dreg:$0x6] =	wrdreg $0x138000  }
0xb3: {  	[dreg:$0x7] =	wrdreg $0x9  }
0xb4: {  	_ =	task.clear_ibuf [dreg:s8], $0x8FFFF;
	_ =	strace $0x90000046  }
0xb5: {  	s26 =	simm.s32 $0x9;
	_ =	strace $0x80000048  }
0xb6: {  	_ =	swait.ge [sflag:s26], $0x1  }
0xb7: {  	[sflag:s26] =	ssyncadd.s32 $0xFFFFFFFF  }
0xb8: {  	_ =	strace $0x90000048  }
0xb9: {  	_ =	sfence  }
0xba: {  	s28 =	sld [smem:$0x0];
	_ =	sdelay $0x1  }
0xbb: {  	s29 =	srdreg.scid  }
0xbc: {  	s30 =	sshll.u32 s29, $0xD;
	s31 =	sshrl.u32 s29, $0x2  }
0xbd: {  	s1 =	sand.u32 $0x1, s29;
	s2 =	sand.u32 $0x4000, s30;
	s0 =	sadd.s32 s31, s28  }
0xbe: {  	s1 =	sor.u32 s2, s1;
	s0 =	sshll.u32 s0, $0x11  }
0xbf: {  	s0 =	sor.u32 s0, s1  }
0xc0: {  	s0 =	sadd.s32 $0x8F2B, s0  }
0xc1: {  	[sflag:s0] =	ssyncadd.remote.s32 $0x1  }
0xc2: {  	_ =	sfence.sel $0xFFFF  }
0xc3: {  	[dreg:$0x0] =	wrdreg $0xFFFFFFFF;
	(pc) =	sbr.abs _section_cstart, $3  }
0xc4: {  	[dreg:$0x1] =	wrdreg $0xFFFFFFFF  }
0xc5: {  	_ =	task.clear_ibuf [dreg:s8], $0x2FFFF;
	_ =	strace $0x9FFFFFFF  }
0xc6: {  	(tm) =	ssettm $0x7FFFFFFF  }
0xc7: {  	_ =	shalt  }
tec
execute0_lowered:
.L_overlay_start_1:
0x0: {  	(tag) =	ssettag $0x1  }
0x1: {  	s4 =	rddreg [dreg:$0x0]  }
0x2: {  	s7 =	rddreg [dreg:$0x1]  }
0x3: {  	s5 =	rddreg [dreg:$0x2]  }
0x4: {  	s2 =	rddreg [dreg:$0x3]  }
0x5: {  	s3 =	rddreg [dreg:$0x4];
	s1 =	stileid.u32  }
0x6: {  	s0 =	rddreg [dreg:$0x5];
	s6 =	simm.s32 $0x0;
	s8 =	smul.u32 $0x7A2, s1  }
0x7: {  	[smem:$0x7FF] =	sst s6  }
0x8: {  	s10 =	simm.s32 $0x80;
	_ =	strace $0x80000047;
	s9 =	sadd.s32 s7, s8  }
0x9: {  	[tilespmem:s10], [sflag:$0x1] =	stream.linear.gather [hbm4b:s9+s6], $0x3D10, $0x38;
	[tilespmem:$0x15800] =	vst v63  }
0xa: {  	s23 =	simm.s32 $0x7B00;
	p0 =	seq.s32 s1, $0xF;
	s8 =	sadd.s32 s5, s8  }
0xb: {  	[tilespmem:s23], [sflag:$0x1] =	stream.linear.gather [hbm4b:s8+s6], $0x3D10, $0x38;
	[tilespmem:$0x15800] =	vst v63  }
0xc: {  	s9 =	simm.s32 @p0 $0x0;
	s10 =	simm.s32 @p0 $0x3D90;
	s8 =	sadd.s32 @p0 $0xEC9E, s7  }
0xd: {  	[tilespmem:s10], [sflag:$0x1] =	stream.linear.gather @p0 [hbm4b:s8+s9], $0x3C30, $0x38;
	[tilespmem:$0x15800] =	vst v63  }
0xe: {  	s8 =	sadd.s32 @p0 $0xEC9E, s5;
	s10 =	simm.s32 @p0 $0xB810  }
0xf: {  	v0 =	vimm.s32 @p0 $0x2000;
	[tilespmem:s10], [sflag:$0x1] =	stream.linear.gather @p0 [hbm4b:s8+s9], $0x3C30, $0x38;
	[tilespmem:$0x15800] =	vst v63  }
0x10: {  	v1 =	vimm.s32 @p0 $0x0;
	[tilespmem:$0xF440] =	vst @p0 v0  }
0x11: {  	[tilespmem:$0x79C0] =	vst @p0 v1  }
0x12: {  	[tilespmem:$0xF450] =	vst @p0 v0  }
0x13: {  	[tilespmem:$0x79D0] =	vst @p0 v1  }
0x14: {  	[tilespmem:$0xF460] =	vst @p0 v0  }
0x15: {  	[tilespmem:$0x79E0] =	vst @p0 v1  }
0x16: {  	[tilespmem:$0xF470] =	vst @p0 v0  }
0x17: {  	[tilespmem:$0x79F0] =	vst @p0 v1  }
0x18: {  	[tilespmem:$0xF480] =	vst @p0 v0  }
0x19: {  	[tilespmem:$0x7A00] =	vst @p0 v1  }
0x1a: {  	[tilespmem:$0xF490] =	vst @p0 v0  }
0x1b: {  	[tilespmem:$0x7A10] =	vst @p0 v1  }
0x1c: {  	[tilespmem:$0xF4A0] =	vst @p0 v0  }
0x1d: {  	[tilespmem:$0x7A20] =	vst @p0 v1  }
0x1e: {  	[tilespmem:$0xF4B0] =	vst @p0 v0  }
0x1f: {  	[tilespmem:$0x7A30] =	vst @p0 v1  }
0x20: {  	[tilespmem:$0xF4C0] =	vst @p0 v0  }
0x21: {  	[tilespmem:$0x7A40] =	vst @p0 v1  }
0x22: {  	[tilespmem:$0xF4D0] =	vst @p0 v0  }
0x23: {  	[tilespmem:$0x7A50] =	vst @p0 v1  }
0x24: {  	[tilespmem:$0xF4E0] =	vst @p0 v0  }
0x25: {  	[tilespmem:$0x7A60] =	vst @p0 v1  }
0x26: {  	[tilespmem:$0xF4F0] =	vst @p0 v0  }
0x27: {  	s8 =	smul.u32 @!p0 $0x3D10, s1;
	[tilespmem:$0x7A70] =	vst @p0 v1  }
0x28: {  	[tilespmem:$0xF500] =	vst @p0 v0  }
0x29: {  	s29 =	simm.s32 $0x2;
	[tilespmem:$0x7A80] =	vst @p0 v1;
	s8 =	sshrl.u32 @!p0 s8, $0x3  }
0x2a: {  	s24 =	sshll.u32 s1, $0xD;
	s25 =	sshll.u32 s1, $0x7;
	[tilespmem:$0xF510] =	vst @p0 v0;
	s8 =	sadd.s32 @!p0 $0x7A20, s8  }
0x2b: {  	s11 =	simm.s32 @!p0 $0x3D90;
	s10 =	simm.s32 @!p0 $0x0;
	[tilespmem:$0x7A90] =	vst @p0 v1;
	s7 =	sadd.s32 @!p0 s7, s8  }
0x2c: {  	[tilespmem:s11], [sflag:$0x1] =	stream.linear.gather @!p0 [hbm4b:s7+s10], $0x3D10, $0x38;
	[tilespmem:$0x15800] =	vst v63  }
0x2d: {  	s30 =	sshll.u32 s1, $0xC;
	s5 =	sadd.s32 @!p0 s5, s8;
	s8 =	simm.s32 @!p0 $0xB810  }
0x2e: {  	[tilespmem:s8], [sflag:$0x1] =	stream.linear.gather @!p0 [hbm4b:s5+s10], $0x3D10, $0x38;
	[tilespmem:$0x15800] =	vst v63  }
0x2f: {  	s31 =	sshll.u32 s1, $0x6;
	s26 =	sand.u32 $0x380, s25;
	s9 =	sand.u32 $0x10000, s24  }
0x30: {  	[tilespmem:s6], [sflag:$0x2] =	stream.linear.gather [hbm4b:s4+s6], $0x80, $0x38;
	[tilespmem:$0x15800] =	vst v63  }
0x31: {  	s2 =	sadd.s32 s2, s31;
	s28 =	sadd.s32 s9, s3;
	_ =	swait.ge [sflag:s29], $0x80  }
0x32: {  	s3 =	sadd.s32 s30, s3;
	s5 =	simm.s32 $0x40;
	[sflag:s29] =	ssyncset.done $0x0  }
0x33: {  	v0 =	vimm.f32 $0.0e+00;
	s4 =	sadd.s32 s26, s28;
	s6 =	simm.s32 $0x0;
	[sflag:s29] =	ssyncadd.s32 $0xFFFFFF80  }
.LBB2_1:
0x34: {  	p1 =	sne.s32 s5, $0x8000;
	[tilespmem:s6+$0xF580] =	vst v0;
	s6 =	smov.u32 s5;
	s5 =	sadd.s32 $0x40, s5  }
.Ltmp0:
0x35: {  	(pc) =	sbr.rel @p1 .LBB2_1-.Ltmp0, $2  }
0x36: {  	_ =	sdelay $0x2  }
0x37: {  	s6 =	sshra.s32 s6, $0x2  }
0x38: {  	v1 =	vlaneseq.u32  }
0x39: {  	[tilespmem:s6+$0xF580] =	vst v0;
	s5 =	simm.s32 $0x1;
	v0 =	vmul.u32 $0x3D1, v1  }
0x3a: {  	s25 =	simm.s32 $0x0;
	_ =	swait.ge [sflag:s5], $0x3D10  }
0x3b: {  	[sflag:s5] =	ssyncset.done $0x0;
	v1 =	vadd.s32 s25, v0  }
0x3c: {  	[sflag:s5] =	ssyncadd.s32 $0xFFFFC2F0  }
0x3d: {  	s26 =	simm.s32 $0x1;
	_ =	swait.ge [sflag:s5], $0x3D10  }
0x3e: {  	v2 =	vadd.s32 s26, v0;
	[sflag:s5] =	ssyncset.done $0x0  }
0x3f: {  	s6 =	simm.s32 $0x80;
	s28 =	simm.s32 $0x4;
	[sflag:s5] =	ssyncadd.s32 $0xFFFFC2F0  }
0x40: {  	s29 =	simm.s32 $0x2;
	v3 =	vadd.s32 s28, v0;
	v4 =	vld.idx.msk [tilespmem:v1+s6+$0x0], $0xffff  }
0x41: {  	s7 =	simm.s32 $0x3;
	v5 =	vadd.s32 s29, v0  }
0x42: {  	v6 =	vadd.s32 s7, v0  }
0x43: {  	v7 =	vld.idx.msk [tilespmem:v2+s6+$0x0], $0xffff  }
0x44: {  	s30 =	simm.s32 $0x6  }
0x45: {  	v8 =	vadd.s32 s30, v0;
	v9 =	vld.idx.msk [tilespmem:v3+s6+$0x0], $0xffff  }
0x46: {  	v10 =	vld.idx.msk [tilespmem:v5+s6+$0x0], $0xffff  }
0x47: {  	s5 =	simm.s32 $0x0;
	v11 =	vld.idx.msk [tilespmem:v6+s6+$0x0], $0xffff  }
0x48: {  	s7 =	simm.s32 $0x7B00;
	v4 =	vld.idx.msk [tilespmem:v4+s5+$0x0], $0xffff  }
0x49: {  	s8 =	simm.s32 $0x5;
	v12 =	vld.idx.msk [tilespmem:v1+s7+$0x0], $0xffff  }
0x4a: {  	v13 =	vld.idx.msk [tilespmem:v8+s6+$0x0], $0xffff;
	v1 =	vadd.s32 s8, v0  }
0x4b: {  	v7 =	vld.idx.msk [tilespmem:v7+s5+$0x0], $0xffff  }
0x4c: {  	v14 =	vimm.f32 $0.0e+00;
	s31 =	simm.s32 $0x7;
	v2 =	vld.idx.msk [tilespmem:v2+s7+$0x0], $0xffff  }
0x4d: {  	v15 =	vimm.s32 $0x2000;
	v17 =	vadd.s32 s31, v0;
	v16 =	vld.idx.msk [tilespmem:v5+s7+$0x0], $0xffff;
	v5 =	vadd.f32 v4, v14  }
0x4e: {  	vm0 =	vne.s32 v12, v15;
	v10 =	vld.idx.msk [tilespmem:v10+s5+$0x0], $0xffff  }
0x4f: {  	v18 =	vld.idx.msk [tilespmem:v1+s6+$0x0], $0xffff;
	v19 =	vsel vm0, v4, v5  }
0x50: {  	v6 =	vld.idx.msk [tilespmem:v6+s7+$0x0], $0xffff;
	v4 =	vadd.f32 v19, v7  }
0x51: {  	vm1 =	vne.s32 v2, v12;
	v11 =	vld.idx.msk [tilespmem:v11+s5+$0x0], $0xffff  }
0x52: {  	v20 =	vld.idx.msk [tilespmem:v17+s6+$0x0], $0xffff;
	v7 =	vsel vm1, v7, v4  }
0x53: {  	v3 =	vld.idx.msk [tilespmem:v3+s7+$0x0], $0xffff;
	v4 =	vadd.f32 v7, v10  }
0x54: {  	vm2 =	vne.s32 v16, v2;
	v9 =	vld.idx.msk [tilespmem:v9+s5+$0x0], $0xffff  }
0x55: {  	v21 =	vld.idx.msk [tilespmem:v1+s7+$0x0], $0xffff;
	v10 =	vsel vm2, v10, v4  }
0x56: {  	v5 =	vld.idx.msk [tilespmem:v8+s7+$0x0], $0xffff;
	v4 =	vadd.f32 v10, v11  }
0x57: {  	vm3 =	vne.s32 v6, v16;
	v8 =	vld.idx.msk [tilespmem:v18+s5+$0x0], $0xffff  }
0x58: {  	v1 =	vld.idx.msk [tilespmem:v17+s7+$0x0], $0xffff;
	v11 =	vsel vm3, v11, v4  }
0x59: {  	vm4 =	vne.s32 v3, v6;
	v13 =	vld.idx.msk [tilespmem:v13+s5+$0x0], $0xffff;
	v62 =	vadd.f32 v11, v9  }
0x5a: {  	s8 =	simm.s32 $0xF580;
	vm5 =	vne.s32 v21, v3;
	v4 =	vld.idx.msk [tilespmem:v20+s5+$0x0], $0xffff  }
0x5b: {  	vm6 =	vne.s32 v5, v21;
	[tilespmem:v15+s8+$0x0] =	vst.idx.add.f32.msk vm0, v14;
	v9 =	vsel vm4, v9, v62  }
0x5c: {  	[tilespmem:v12+s8+$0x0] =	vst.idx.add.f32.msk vm1, v19;
	v63 =	vadd.f32 v9, v8  }
0x5d: {  	vm0 =	vne.s32 v1, v5;
	[tilespmem:v2+s8+$0x0] =	vst.idx.add.f32.msk vm2, v7  }
0x5e: {  	s9 =	simm.s32 $0x8;
	[tilespmem:v16+s8+$0x0] =	vst.idx.add.f32.msk vm3, v10;
	v2 =	vsel vm5, v8, v63  }
0x5f: {  	s10 =	simm.s32 $0xC;
	v7 =	vadd.s32 s9, v0;
	[tilespmem:v6+s8+$0x0] =	vst.idx.add.f32.msk vm4, v11;
	v10 =	vadd.f32 v2, v13  }
0x60: {  	s11 =	simm.s32 $0x9;
	s12 =	simm.s32 $0xE;
	v6 =	vadd.s32 s10, v0;
	[tilespmem:v3+s8+$0x0] =	vst.idx.add.f32.msk vm5, v9  }
0x61: {  	s9 =	simm.s32 $0xF;
	s10 =	simm.s32 $0x17;
	v3 =	vadd.s32 s12, v0;
	v8 =	vadd.s32 s11, v0;
	[tilespmem:v21+s8+$0x0] =	vst.idx.add.f32.msk vm6, v2;
	v9 =	vsel vm6, v13, v10;
	v2 =	vmovc v1  }
.LBB2_3:
0x62: {  	p1 =	sne.s32 s10, $0x3CF  }
0x63: {  	s11 =	sadd.s32 $0xFFFFFFFB, s9;
	[tilespmem:v5+s8+$0x0] =	vst.idx.add.f32.msk vm0, v9;
	s12 =	smov.u32 s10;
	s10 =	sadd.s32 $0x8, s10  }
0x64: {  	s13 =	sadd.s32 $0xFFFFFFFC, s9;
	v9 =	vadd.f32 v9, v4;
	v5 =	vld.idx.msk [tilespmem:v7+s6+$0x0], $0xffff;
	v10 =	vadd.s32 s11, v0  }
0x65: {  	v11 =	vadd.s32 s13, v0;
	v12 =	vld.idx.msk [tilespmem:v6+s6+$0x0], $0xffff  }
0x66: {  	v9 =	vsel vm0, v4, v9;
	v13 =	vld.idx.msk [tilespmem:v8+s6+$0x0], $0xffff  }
0x67: {  	v4 =	vld.idx.msk [tilespmem:v3+s6+$0x0], $0xffff  }
0x68: {  	v8 =	vld.idx.msk [tilespmem:v8+s7+$0x0], $0xffff  }
0x69: {  	s11 =	sadd.s32 $0xFFFFFFFE, s9;
	v14 =	vld.idx.msk [tilespmem:v10+s6+$0x0], $0xffff  }
0x6a: {  	v16 =	vadd.s32 s11, v0;
	v15 =	vld.idx.msk [tilespmem:v11+s6+$0x0], $0xffff  }
0x6b: {  	v7 =	vld.idx.msk [tilespmem:v7+s7+$0x0], $0xffff  }
0x6c: {  	v10 =	vld.idx.msk [tilespmem:v10+s7+$0x0], $0xffff  }
0x6d: {  	v5 =	vld.idx.msk [tilespmem:v5+s5+$0x0], $0xffff  }
0x6e: {  	v13 =	vld.idx.msk [tilespmem:v13+s5+$0x0], $0xffff  }
0x6f: {  	v17 =	vadd.s32 s9, v0;
	s9 =	smov.u32 s12;
	v18 =	vld.idx.msk [tilespmem:v16+s7+$0x0], $0xffff  }
0x70: {  	v6 =	vld.idx.msk [tilespmem:v6+s7+$0x0], $0xffff  }
0x71: {  	v16 =	vld.idx.msk [tilespmem:v16+s6+$0x0], $0xffff  }
0x72: {  	v11 =	vld.idx.msk [tilespmem:v11+s7+$0x0], $0xffff  }
0x73: {  	v19 =	vadd.f32 v5, v9;
	v14 =	vld.idx.msk [tilespmem:v14+s5+$0x0], $0xffff  }
0x74: {  	vm0 =	vne.s32 v7, v1;
	v20 =	vld.idx.msk [tilespmem:v17+s6+$0x0], $0xffff  }
0x75: {  	v19 =	vsel vm0, v5, v19  }
0x76: {  	v21 =	vadd.f32 v19, v13;
	v15 =	vld.idx.msk [tilespmem:v15+s5+$0x0], $0xffff  }
0x77: {  	vm1 =	vne.s32 v8, v7;
	v1 =	vld.idx.msk [tilespmem:v17+s7+$0x0], $0xffff  }
0x78: {  	v5 =	vld.idx.msk [tilespmem:v3+s7+$0x0], $0xffff;
	v3 =	vsel vm1, v13, v21  }
0x79: {  	vm2 =	vne.s32 v10, v8;
	v12 =	vld.idx.msk [tilespmem:v12+s5+$0x0], $0xffff;
	v13 =	vadd.f32 v3, v14  }
0x7a: {  	vm3 =	vne.s32 v11, v10;
	v16 =	vld.idx.msk [tilespmem:v16+s5+$0x0], $0xffff  }
0x7b: {  	vm4 =	vne.s32 v6, v11;
	v17 =	vld.idx.msk [tilespmem:v4+s5+$0x0], $0xffff;
	v13 =	vsel vm2, v14, v13  }
0x7c: {  	vm5 =	vne.s32 v18, v6;
	v4 =	vld.idx.msk [tilespmem:v20+s5+$0x0], $0xffff;
	v14 =	vadd.f32 v13, v15  }
0x7d: {  	[tilespmem:v2+s8+$0x0] =	vst.idx.add.f32.msk vm0, v9;
	v2 =	vmov v1  }
0x7e: {  	[tilespmem:v7+s8+$0x0] =	vst.idx.add.f32.msk vm1, v19;
	v7 =	vsel vm3, v15, v14  }
0x7f: {  	vm1 =	vne.s32 v5, v18;
	[tilespmem:v8+s8+$0x0] =	vst.idx.add.f32.msk vm2, v3;
	v3 =	vadd.f32 v7, v12  }
0x80: {  	[tilespmem:v10+s8+$0x0] =	vst.idx.add.f32.msk vm3, v13  }
0x81: {  	[tilespmem:v11+s8+$0x0] =	vst.idx.add.f32.msk vm4, v7;
	v3 =	vsel vm4, v12, v3  }
0x82: {  	s11 =	sadd.s32 $0xFFFFFFF9, s9;
	vm0 =	vne.s32 v1, v5;
	[tilespmem:v6+s8+$0x0] =	vst.idx.add.f32.msk vm5, v3;
	v3 =	vadd.f32 v3, v16  }
.Ltmp1:
0x83: {  	v7 =	vadd.s32 s11, v0;
	(pc) =	sbr.rel @p1 .LBB2_3-.Ltmp1, $4  }
0x84: {  	s11 =	sadd.s32 $0xFFFFFFFD, s9;
	v3 =	vsel vm5, v16, v3  }
0x85: {  	s12 =	sadd.s32 $0xFFFFFFFA, s9;
	v6 =	vadd.s32 s11, v0;
	[tilespmem:v18+s8+$0x0] =	vst.idx.add.f32.msk vm1, v3;
	v9 =	vadd.f32 v3, v17  }
0x86: {  	v8 =	vadd.s32 s12, v0;
	s11 =	sadd.s32 $0xFFFFFFFF, s9  }
0x87: {  	v3 =	vadd.s32 s11, v0;
	v9 =	vsel vm1, v17, v9  }
0x88: {  	_ =	sdelay $0x4  }
0x89: {  	[tilespmem:v5+s8+$0x0] =	vst.idx.add.f32.msk vm0, v9  }
0x8a: {  	s10 =	sadd.s32 $0xFFFFFFFB, s9;
	v5 =	vld.idx.msk [tilespmem:v7+s6+$0x0], $0xffff  }
0x8b: {  	v10 =	vadd.s32 s10, v0;
	_ =	sdelay $0x1  }
0x8c: {  	s11 =	sadd.s32 $0xFFFFFFFC, s9;
	v12 =	vld.idx.msk [tilespmem:v8+s6+$0x0], $0xffff  }
0x8d: {  	v11 =	vadd.s32 s11, v0;
	v13 =	vld.idx.msk [tilespmem:v6+s6+$0x0], $0xffff  }
0x8e: {  	v14 =	vld.idx.msk [tilespmem:v3+s6+$0x0], $0xffff  }
0x8f: {  	v15 =	vld.idx.msk [tilespmem:v10+s6+$0x0], $0xffff  }
0x90: {  	v7 =	vld.idx.msk [tilespmem:v7+s7+$0x0], $0xffff  }
0x91: {  	v5 =	vld.idx.msk [tilespmem:v5+s5+$0x0], $0xffff  }
0x92: {  	s20 =	sadd.s32 $0xFFFFFFFE, s9;
	v16 =	vld.idx.msk [tilespmem:v11+s6+$0x0], $0xffff  }
0x93: {  	v9 =	vadd.f32 v9, v4;
	v17 =	vadd.s32 s20, v0;
	v8 =	vld.idx.msk [tilespmem:v8+s7+$0x0], $0xffff  }
0x94: {  	v12 =	vld.idx.msk [tilespmem:v12+s5+$0x0], $0xffff  }
0x95: {  	v6 =	vld.idx.msk [tilespmem:v6+s7+$0x0], $0xffff;
	v4 =	vsel vm0, v4, v9  }
0x96: {  	v0 =	vadd.s32 s9, v0;
	v9 =	vld.idx.msk [tilespmem:v10+s7+$0x0], $0xffff;
	v18 =	vadd.f32 v5, v4  }
0x97: {  	vm0 =	vne.s32 v7, v1;
	v15 =	vld.idx.msk [tilespmem:v15+s5+$0x0], $0xffff  }
0x98: {  	v1 =	vld.idx.msk [tilespmem:v17+s6+$0x0], $0xffff;
	v5 =	vsel vm0, v5, v18  }
0x99: {  	v11 =	vld.idx.msk [tilespmem:v11+s7+$0x0], $0xffff;
	v54 =	vadd.f32 v5, v12  }
0x9a: {  	vm1 =	vne.s32 v8, v7;
	v16 =	vld.idx.msk [tilespmem:v16+s5+$0x0], $0xffff  }
0x9b: {  	v55 =	vld.idx.msk [tilespmem:v0+s6+$0x0], $0xffff;
	v12 =	vsel vm1, v12, v54  }
0x9c: {  	v10 =	vld.idx.msk [tilespmem:v17+s7+$0x0], $0xffff;
	v17 =	vadd.f32 v12, v15  }
0x9d: {  	v13 =	vld.idx.msk [tilespmem:v13+s5+$0x0], $0xffff;
	vm2 =	vne.s32 v9, v8  }
0x9e: {  	v3 =	vld.idx.msk [tilespmem:v3+s7+$0x0], $0xffff;
	v15 =	vsel vm2, v15, v17  }
0x9f: {  	v0 =	vld.idx.msk [tilespmem:v0+s7+$0x0], $0xffff;
	v17 =	vadd.f32 v15, v16  }
0xa0: {  	vm3 =	vne.s32 v11, v9;
	v1 =	vld.idx.msk [tilespmem:v1+s5+$0x0], $0xffff  }
0xa1: {  	v16 =	vsel vm3, v16, v17  }
0xa2: {  	v14 =	vld.idx.msk [tilespmem:v14+s5+$0x0], $0xffff;
	vm4 =	vne.s32 v6, v11;
	v17 =	vadd.f32 v16, v13  }
0xa3: {  	vm5 =	vne.s32 v10, v6;
	v18 =	vld.idx.msk [tilespmem:v55+s5+$0x0], $0xffff  }
0xa4: {  	[tilespmem:v2+s8+$0x0] =	vst.idx.add.f32.msk vm0, v4;
	vm0 =	vne.s32 v3, v10;
	v4 =	vlaneseq.u32;
	v2 =	vsel vm4, v13, v17  }
0xa5: {  	[tilespmem:v7+s8+$0x0] =	vst.idx.add.f32.msk vm1, v5;
	v4 =	vmul.u32 $0x3D1, v4;
	vm1 =	vne.s32 v0, v3;
	v5 =	vadd.f32 v2, v1  }
0xa6: {  	[tilespmem:v8+s8+$0x0] =	vst.idx.add.f32.msk vm2, v12  }
0xa7: {  	[tilespmem:v9+s8+$0x0] =	vst.idx.add.f32.msk vm3, v15;
	v1 =	vsel vm5, v1, v5;
	v5 =	vadd.s32 $0x3D0, v4  }
0xa8: {  	[tilespmem:v11+s8+$0x0] =	vst.idx.add.f32.msk vm4, v16;
	v7 =	vadd.f32 v1, v14  }
0xa9: {  	[tilespmem:v6+s8+$0x0] =	vst.idx.add.f32.msk vm5, v2  }
0xaa: {  	[tilespmem:v10+s8+$0x0] =	vst.idx.add.f32.msk vm0, v1;
	v1 =	vsel vm0, v14, v7  }
0xab: {  	[tilespmem:v3+s8+$0x0] =	vst.idx.add.f32.msk vm1, v1;
	s8 =	simm.s32 $0x80  }
0xac: {  	v2 =	vld.idx.msk [tilespmem:v5+s8+$0x0], $0xffff;
	_ =	sdelay $0x2  }
0xad: {  	s7 =	simm.s32 $0x7B00  }
0xae: {  	v3 =	vld.idx.msk [tilespmem:v5+s7+$0x0], $0xffff;
	_ =	sdelay $0x2  }
0xaf: {  	s6 =	simm.s32 $0x0  }
0xb0: {  	v2 =	vld.idx.msk [tilespmem:v2+s6+$0x0], $0xffff  }
0xb1: {  	vm4 =	vne.s32 v3, v0  }
0xb2: {  	v1 =	vadd.f32 v1, v18  }
0xb3: {  	vm0 =	vcmask $0x704  }
0xb4: {  	v1 =	vsel vm1, v18, v1;
	vm1 =	vcmask $0xB08  }
0xb5: {  	vm2 =	vcmask $0xF0C;
	v5 =	vadd.f32 v2, v1  }
0xb6: {  	s5 =	simm.s32 $0xF580;
	vm3 =	vcmask $0x1310  }
0xb7: {  	[tilespmem:v0+s5+$0x0] =	vst.idx.add.f32.msk vm4, v1;
	v0 =	vsel vm4, v2, v5;
	vm4 =	vcmask $0x1714  }
0xb8: {  	vm5 =	vcmask $0x1B18;
	[tilespmem:v3+s5+$0x0] =	vst.idx.add.f32.msk $0x1, v0  }
0xb9: {  	vm6 =	vcmask $0x1F1C;
	[tilespmem:v3+s5+$0x0] =	vst.idx.add.f32.msk vm0, v0  }
0xba: {  	vm7 =	vcmask $0x2320;
	[tilespmem:v3+s5+$0x0] =	vst.idx.add.f32.msk vm1, v0  }
0xbb: {  	vm8 =	vcmask $0x2724;
	[tilespmem:v3+s5+$0x0] =	vst.idx.add.f32.msk vm2, v0  }
0xbc: {  	vm9 =	vcmask $0x2B28;
	[tilespmem:v3+s5+$0x0] =	vst.idx.add.f32.msk vm3, v0  }
0xbd: {  	vm10 =	vcmask $0x2F2C;
	[tilespmem:v3+s5+$0x0] =	vst.idx.add.f32.msk vm4, v0  }
0xbe: {  	vm11 =	vcmask $0x3330;
	[tilespmem:v3+s5+$0x0] =	vst.idx.add.f32.msk vm5, v0  }
0xbf: {  	vm12 =	vcmask $0x3734;
	[tilespmem:v3+s5+$0x0] =	vst.idx.add.f32.msk vm6, v0  }
0xc0: {  	vm13 =	vcmask $0x3B38;
	[tilespmem:v3+s5+$0x0] =	vst.idx.add.f32.msk vm7, v0  }
0xc1: {  	vm14 =	vcmask $0x3F3C;
	[tilespmem:v3+s5+$0x0] =	vst.idx.add.f32.msk vm8, v0  }
0xc2: {  	[tilespmem:v3+s5+$0x0] =	vst.idx.add.f32.msk vm9, v0  }
0xc3: {  	[tilespmem:v3+s5+$0x0] =	vst.idx.add.f32.msk vm10, v0  }
0xc4: {  	[tilespmem:v3+s5+$0x0] =	vst.idx.add.f32.msk vm11, v0  }
0xc5: {  	[tilespmem:v3+s5+$0x0] =	vst.idx.add.f32.msk vm12, v0  }
0xc6: {  	[tilespmem:v3+s5+$0x0] =	vst.idx.add.f32.msk vm13, v0  }
0xc7: {  	s9 =	simm.s32 @p0 $0x1;
	[tilespmem:v3+s5+$0x0] =	vst.idx.add.f32.msk vm14, v0  }
0xc8: {  	_ =	swait.ge @p0 [sflag:s9], $0x3C30  }
0xc9: {  	[sflag:s9] =	ssyncset.done @p0 $0x0  }
0xca: {  	[sflag:s9] =	ssyncadd.s32 @p0 $0xFFFFC3D0  }
0xcb: {  	_ =	swait.ge @p0 [sflag:s9], $0x3C30  }
0xcc: {  	[sflag:s9] =	ssyncset.done @p0 $0x0  }
0xcd: {  	[sflag:s9] =	ssyncadd.s32 @p0 $0xFFFFC3D0;
	s9 =	simm.s32 @!p0 $0x1  }
0xce: {  	s21 =	simm.s32 $0x0;
	v0 =	vadd.s32 $0x3D10, v4;
	_ =	swait.ge @!p0 [sflag:s9], $0x3D10  }
0xcf: {  	v1 =	vadd.s32 s21, v0;
	[sflag:s9] =	ssyncset.done @!p0 $0x0  }
0xd0: {  	[sflag:s9] =	ssyncadd.s32 @!p0 $0xFFFFC2F0  }
0xd1: {  	s22 =	simm.s32 $0x1;
	_ =	swait.ge @!p0 [sflag:s9], $0x3D10  }
0xd2: {  	v2 =	vadd.s32 s22, v0;
	[sflag:s9] =	ssyncset.done @!p0 $0x0  }
0xd3: {  	s23 =	simm.s32 $0x4;
	[sflag:s9] =	ssyncadd.s32 @!p0 $0xFFFFC2F0  }
0xd4: {  	s24 =	simm.s32 $0x2;
	v3 =	vadd.s32 s23, v0;
	v4 =	vld.idx.msk [tilespmem:v1+s8+$0x0], $0xffff  }
0xd5: {  	s25 =	simm.s32 $0x3;
	v5 =	vadd.s32 s24, v0  }
0xd6: {  	v6 =	vadd.s32 s25, v0  }
0xd7: {  	v7 =	vld.idx.msk [tilespmem:v2+s8+$0x0], $0xffff  }
0xd8: {  	s26 =	simm.s32 $0x6  }
0xd9: {  	v8 =	vadd.s32 s26, v0;
	v9 =	vld.idx.msk [tilespmem:v3+s8+$0x0], $0xffff  }
0xda: {  	v10 =	vld.idx.msk [tilespmem:v5+s8+$0x0], $0xffff  }
0xdb: {  	v11 =	vld.idx.msk [tilespmem:v6+s8+$0x0], $0xffff  }
0xdc: {  	v4 =	vld.idx.msk [tilespmem:v4+s6+$0x0], $0xffff  }
0xdd: {  	s28 =	simm.s32 $0x5;
	v1 =	vld.idx.msk [tilespmem:v1+s7+$0x0], $0xffff  }
0xde: {  	v57 =	vadd.s32 s28, v0;
	v56 =	vld.idx.msk [tilespmem:v8+s8+$0x0], $0xffff  }
0xdf: {  	v7 =	vld.idx.msk [tilespmem:v7+s6+$0x0], $0xffff  }
0xe0: {  	v58 =	vimm.f32 $0.0e+00;
	s29 =	simm.s32 $0x7;
	v59 =	vld.idx.msk [tilespmem:v2+s7+$0x0], $0xffff  }
0xe1: {  	v60 =	vimm.s32 $0x2000;
	v62 =	vadd.s32 s29, v0;
	v61 =	vld.idx.msk [tilespmem:v5+s7+$0x0], $0xffff;
	v2 =	vadd.f32 v4, v58  }
0xe2: {  	vm15 =	vne.s32 v1, v60;
	v5 =	vld.idx.msk [tilespmem:v10+s6+$0x0], $0xffff  }
0xe3: {  	v10 =	vld.idx.msk [tilespmem:v57+s8+$0x0], $0xffff;
	v19 =	vsel vm15, v4, v2  }
0xe4: {  	v6 =	vld.idx.msk [tilespmem:v6+s7+$0x0], $0xffff;
	v2 =	vadd.f32 v19, v7  }
0xe5: {  	vm0 =	vne.s32 v59, v1;
	v4 =	vld.idx.msk [tilespmem:v11+s6+$0x0], $0xffff  }
0xe6: {  	v11 =	vld.idx.msk [tilespmem:v62+s8+$0x0], $0xffff;
	v7 =	vsel vm0, v7, v2  }
0xe7: {  	v3 =	vld.idx.msk [tilespmem:v3+s7+$0x0], $0xffff;
	v2 =	vadd.f32 v7, v5  }
0xe8: {  	vm1 =	vne.s32 v61, v59;
	v9 =	vld.idx.msk [tilespmem:v9+s6+$0x0], $0xffff  }
0xe9: {  	v13 =	vld.idx.msk [tilespmem:v57+s7+$0x0], $0xffff;
	v20 =	vsel vm1, v5, v2  }
0xea: {  	v5 =	vld.idx.msk [tilespmem:v8+s7+$0x0], $0xffff;
	v2 =	vadd.f32 v20, v4  }
0xeb: {  	vm2 =	vne.s32 v6, v61;
	v8 =	vld.idx.msk [tilespmem:v10+s6+$0x0], $0xffff  }
0xec: {  	v10 =	vsel vm2, v4, v2;
	v2 =	vld.idx.msk [tilespmem:v62+s7+$0x0], $0xffff  }
0xed: {  	vm3 =	vne.s32 v3, v6;
	v12 =	vld.idx.msk [tilespmem:v56+s6+$0x0], $0xffff;
	v63 =	vadd.f32 v10, v9  }
0xee: {  	vm4 =	vne.s32 v13, v3;
	v4 =	vld.idx.msk [tilespmem:v11+s6+$0x0], $0xffff  }
0xef: {  	[tilespmem:v60+s5+$0x0] =	vst.idx.add.f32.msk vm15, v58;
	vm5 =	vne.s32 v5, v13;
	v9 =	vsel vm3, v9, v63  }
0xf0: {  	[tilespmem:v1+s5+$0x0] =	vst.idx.add.f32.msk vm0, v19;
	v11 =	vadd.f32 v9, v8  }
0xf1: {  	[tilespmem:v59+s5+$0x0] =	vst.idx.add.f32.msk vm1, v7;
	vm15 =	vne.s32 v2, v5  }
0xf2: {  	s30 =	simm.s32 $0x8;
	[tilespmem:v61+s5+$0x0] =	vst.idx.add.f32.msk vm2, v20;
	v1 =	vsel vm4, v8, v11  }
0xf3: {  	s31 =	simm.s32 $0xC;
	v7 =	vadd.s32 s30, v0;
	[tilespmem:v6+s5+$0x0] =	vst.idx.add.f32.msk vm3, v10;
	v8 =	vadd.f32 v1, v12  }
0xf4: {  	s12 =	simm.s32 $0x9;
	s13 =	simm.s32 $0xE;
	v6 =	vadd.s32 s31, v0;
	[tilespmem:v3+s5+$0x0] =	vst.idx.add.f32.msk vm4, v9  }
0xf5: {  	s10 =	simm.s32 $0x17;
	s9 =	simm.s32 $0xF;
	v3 =	vadd.s32 s13, v0;
	[tilespmem:v13+s5+$0x0] =	vst.idx.add.f32.msk vm5, v1;
	v9 =	vsel vm5, v12, v8;
	v8 =	vadd.s32 s12, v0;
	v1 =	vmovc v2  }
.LBB2_5:
0xf6: {  	p0 =	sne.s32 s10, $0x3CF  }
0xf7: {  	s11 =	sadd.s32 $0xFFFFFFFB, s9;
	[tilespmem:v5+s5+$0x0] =	vst.idx.add.f32.msk vm15, v9;
	s12 =	smov.u32 s10;
	s10 =	sadd.s32 $0x8, s10  }
0xf8: {  	s13 =	sadd.s32 $0xFFFFFFFC, s9;
	v9 =	vadd.f32 v9, v4;
	v5 =	vld.idx.msk [tilespmem:v7+s8+$0x0], $0xffff;
	v10 =	vadd.s32 s11, v0  }
0xf9: {  	v11 =	vadd.s32 s13, v0;
	v12 =	vld.idx.msk [tilespmem:v6+s8+$0x0], $0xffff  }
0xfa: {  	v9 =	vsel vm15, v4, v9;
	v13 =	vld.idx.msk [tilespmem:v8+s8+$0x0], $0xffff  }
0xfb: {  	v4 =	vld.idx.msk [tilespmem:v3+s8+$0x0], $0xffff  }
0xfc: {  	v8 =	vld.idx.msk [tilespmem:v8+s7+$0x0], $0xffff  }
0xfd: {  	s11 =	sadd.s32 $0xFFFFFFFE, s9;
	v14 =	vld.idx.msk [tilespmem:v10+s8+$0x0], $0xffff  }
0xfe: {  	v16 =	vadd.s32 s11, v0;
	v15 =	vld.idx.msk [tilespmem:v11+s8+$0x0], $0xffff  }
0xff: {  	v7 =	vld.idx.msk [tilespmem:v7+s7+$0x0], $0xffff  }
0x100: {  	v10 =	vld.idx.msk [tilespmem:v10+s7+$0x0], $0xffff  }
0x101: {  	v5 =	vld.idx.msk [tilespmem:v5+s6+$0x0], $0xffff  }
0x102: {  	v13 =	vld.idx.msk [tilespmem:v13+s6+$0x0], $0xffff  }
0x103: {  	v17 =	vadd.s32 s9, v0;
	s9 =	smov.u32 s12;
	v18 =	vld.idx.msk [tilespmem:v16+s7+$0x0], $0xffff  }
0x104: {  	v6 =	vld.idx.msk [tilespmem:v6+s7+$0x0], $0xffff  }
0x105: {  	v16 =	vld.idx.msk [tilespmem:v16+s8+$0x0], $0xffff  }
0x106: {  	v11 =	vld.idx.msk [tilespmem:v11+s7+$0x0], $0xffff  }
0x107: {  	v19 =	vadd.f32 v5, v9;
	v14 =	vld.idx.msk [tilespmem:v14+s6+$0x0], $0xffff  }
0x108: {  	vm0 =	vne.s32 v7, v2;
	v20 =	vld.idx.msk [tilespmem:v17+s8+$0x0], $0xffff  }
0x109: {  	v19 =	vsel vm0, v5, v19  }
0x10a: {  	v21 =	vadd.f32 v19, v13;
	v15 =	vld.idx.msk [tilespmem:v15+s6+$0x0], $0xffff  }
0x10b: {  	vm1 =	vne.s32 v8, v7;
	v2 =	vld.idx.msk [tilespmem:v17+s7+$0x0], $0xffff  }
0x10c: {  	v5 =	vld.idx.msk [tilespmem:v3+s7+$0x0], $0xffff;
	v3 =	vsel vm1, v13, v21  }
0x10d: {  	vm2 =	vne.s32 v10, v8;
	v12 =	vld.idx.msk [tilespmem:v12+s6+$0x0], $0xffff;
	v13 =	vadd.f32 v3, v14  }
0x10e: {  	vm3 =	vne.s32 v11, v10;
	v16 =	vld.idx.msk [tilespmem:v16+s6+$0x0], $0xffff  }
0x10f: {  	vm4 =	vne.s32 v6, v11;
	v17 =	vld.idx.msk [tilespmem:v4+s6+$0x0], $0xffff;
	v13 =	vsel vm2, v14, v13  }
0x110: {  	vm5 =	vne.s32 v18, v6;
	v4 =	vld.idx.msk [tilespmem:v20+s6+$0x0], $0xffff;
	v14 =	vadd.f32 v13, v15  }
0x111: {  	[tilespmem:v1+s5+$0x0] =	vst.idx.add.f32.msk vm0, v9;
	v1 =	vmov v2  }
0x112: {  	[tilespmem:v7+s5+$0x0] =	vst.idx.add.f32.msk vm1, v19;
	v7 =	vsel vm3, v15, v14  }
0x113: {  	vm0 =	vne.s32 v5, v18;
	[tilespmem:v8+s5+$0x0] =	vst.idx.add.f32.msk vm2, v3;
	v3 =	vadd.f32 v7, v12  }
0x114: {  	[tilespmem:v10+s5+$0x0] =	vst.idx.add.f32.msk vm3, v13  }
0x115: {  	[tilespmem:v11+s5+$0x0] =	vst.idx.add.f32.msk vm4, v7;
	v3 =	vsel vm4, v12, v3  }
0x116: {  	s11 =	sadd.s32 $0xFFFFFFF9, s9;
	vm15 =	vne.s32 v2, v5;
	[tilespmem:v6+s5+$0x0] =	vst.idx.add.f32.msk vm5, v3;
	v3 =	vadd.f32 v3, v16  }
.Ltmp2:
0x117: {  	v7 =	vadd.s32 s11, v0;
	(pc) =	sbr.rel @p0 .LBB2_5-.Ltmp2, $4  }
0x118: {  	s11 =	sadd.s32 $0xFFFFFFFD, s9;
	v3 =	vsel vm5, v16, v3  }
0x119: {  	s12 =	sadd.s32 $0xFFFFFFFA, s9;
	v6 =	vadd.s32 s11, v0;
	[tilespmem:v18+s5+$0x0] =	vst.idx.add.f32.msk vm0, v3;
	v9 =	vadd.f32 v3, v17  }
0x11a: {  	v8 =	vadd.s32 s12, v0;
	s11 =	sadd.s32 $0xFFFFFFFF, s9  }
0x11b: {  	v3 =	vadd.s32 s11, v0;
	v9 =	vsel vm0, v17, v9  }
0x11c: {  	_ =	sdelay $0x4  }
0x11d: {  	[tilespmem:v5+s5+$0x0] =	vst.idx.add.f32.msk vm15, v9  }
0x11e: {  	s10 =	sadd.s32 $0xFFFFFFFB, s9;
	v5 =	vld.idx.msk [tilespmem:v7+s8+$0x0], $0xffff  }
0x11f: {  	v10 =	vadd.s32 s10, v0;
	_ =	sdelay $0x1  }
0x120: {  	s11 =	sadd.s32 $0xFFFFFFFC, s9;
	v12 =	vld.idx.msk [tilespmem:v8+s8+$0x0], $0xffff  }
0x121: {  	v11 =	vadd.s32 s11, v0;
	v13 =	vld.idx.msk [tilespmem:v6+s8+$0x0], $0xffff  }
0x122: {  	v14 =	vld.idx.msk [tilespmem:v3+s8+$0x0], $0xffff  }
0x123: {  	v15 =	vld.idx.msk [tilespmem:v10+s8+$0x0], $0xffff  }
0x124: {  	v45 =	vld.idx.msk [tilespmem:v7+s7+$0x0], $0xffff  }
0x125: {  	v5 =	vld.idx.msk [tilespmem:v5+s6+$0x0], $0xffff  }
0x126: {  	s17 =	sadd.s32 $0xFFFFFFFE, s9;
	v16 =	vld.idx.msk [tilespmem:v11+s8+$0x0], $0xffff  }
0x127: {  	v46 =	vadd.f32 v9, v4;
	v17 =	vadd.s32 s17, v0;
	v47 =	vld.idx.msk [tilespmem:v8+s7+$0x0], $0xffff  }
0x128: {  	v49 =	vadd.s32 s9, v0;
	v12 =	vld.idx.msk [tilespmem:v12+s6+$0x0], $0xffff  }
0x129: {  	v54 =	vld.idx.msk [tilespmem:v6+s7+$0x0], $0xffff;
	v4 =	vsel vm15, v4, v46  }
0x12a: {  	v48 =	vld.idx.msk [tilespmem:v10+s7+$0x0], $0xffff;
	v18 =	vadd.f32 v5, v4  }
0x12b: {  	vm0 =	vne.s32 v45, v2;
	v15 =	vld.idx.msk [tilespmem:v15+s6+$0x0], $0xffff  }
0x12c: {  	v51 =	vld.idx.msk [tilespmem:v17+s8+$0x0], $0xffff;
	v5 =	vsel vm0, v5, v18  }
0x12d: {  	v53 =	vld.idx.msk [tilespmem:v49+s8+$0x0], $0xffff;
	v52 =	vadd.f32 v5, v12  }
0x12e: {  	vm1 =	vne.s32 v47, v45;
	v16 =	vld.idx.msk [tilespmem:v16+s6+$0x0], $0xffff  }
0x12f: {  	v11 =	vld.idx.msk [tilespmem:v11+s7+$0x0], $0xffff;
	v12 =	vsel vm1, v12, v52  }
0x130: {  	v50 =	vld.idx.msk [tilespmem:v17+s7+$0x0], $0xffff;
	v17 =	vadd.f32 v12, v15  }
0x131: {  	v13 =	vld.idx.msk [tilespmem:v13+s6+$0x0], $0xffff;
	vm2 =	vne.s32 v48, v47  }
0x132: {  	v55 =	vld.idx.msk [tilespmem:v3+s7+$0x0], $0xffff;
	v15 =	vsel vm2, v15, v17  }
0x133: {  	v0 =	vld.idx.msk [tilespmem:v49+s7+$0x0], $0xffff;
	v17 =	vadd.f32 v15, v16  }
0x134: {  	vm3 =	vne.s32 v11, v48;
	v2 =	vld.idx.msk [tilespmem:v51+s6+$0x0], $0xffff  }
0x135: {  	v16 =	vsel vm3, v16, v17  }
0x136: {  	v14 =	vld.idx.msk [tilespmem:v14+s6+$0x0], $0xffff;
	vm4 =	vne.s32 v54, v11;
	v17 =	vadd.f32 v16, v13  }
0x137: {  	vm5 =	vne.s32 v50, v54;
	v18 =	vld.idx.msk [tilespmem:v53+s6+$0x0], $0xffff  }
0x138: {  	v57 =	vlaneseq.u32;
	vm15 =	vne.s32 v55, v50;
	[tilespmem:v1+s5+$0x0] =	vst.idx.add.f32.msk vm0, v4;
	v56 =	vsel vm4, v13, v17  }
0x139: {  	v4 =	vmul.u32 $0x3D1, v57;
	[tilespmem:v45+s5+$0x0] =	vst.idx.add.f32.msk vm1, v5;
	vm1 =	vne.s32 v0, v55;
	v58 =	vadd.f32 v56, v2  }
0x13a: {  	[tilespmem:v47+s5+$0x0] =	vst.idx.add.f32.msk vm2, v12  }
0x13b: {  	v4 =	vadd.s32 $0x40E0, v4;
	[tilespmem:v48+s5+$0x0] =	vst.idx.add.f32.msk vm3, v15;
	v2 =	vsel vm5, v2, v58  }
0x13c: {  	[tilespmem:v11+s5+$0x0] =	vst.idx.add.f32.msk vm4, v16;
	v5 =	vadd.f32 v2, v14  }
0x13d: {  	[tilespmem:v54+s5+$0x0] =	vst.idx.add.f32.msk vm5, v56  }
0x13e: {  	[tilespmem:v50+s5+$0x0] =	vst.idx.add.f32.msk vm15, v2;
	v59 =	vsel vm15, v14, v5  }
0x13f: {  	s18 =	simm.s32 $0x80;
	[tilespmem:v55+s5+$0x0] =	vst.idx.add.f32.msk vm1, v59  }
0x140: {  	v2 =	vld.idx.msk [tilespmem:v4+s18+$0x0], $0xffff;
	_ =	sdelay $0x2  }
0x141: {  	s19 =	simm.s32 $0x7B00  }
0x142: {  	v3 =	vld.idx.msk [tilespmem:v4+s19+$0x0], $0xffff;
	_ =	sdelay $0x2  }
0x143: {  	s20 =	simm.s32 $0x0  }
0x144: {  	v2 =	vld.idx.msk [tilespmem:v2+s20+$0x0], $0xffff  }
0x145: {  	vm15 =	vne.s32 v3, v0  }
0x146: {  	v1 =	vadd.f32 v59, v18;
	_ =	sdelay $0x1  }
0x147: {  	v1 =	vsel vm1, v18, v1  }
0x148: {  	vm4 =	vcmask $0x704;
	v60 =	vadd.f32 v2, v1  }
0x149: {  	s21 =	simm.s32 $0xF580;
	vm5 =	vcmask $0xB08  }
0x14a: {  	[tilespmem:v0+s21+$0x0] =	vst.idx.add.f32.msk vm15, v1;
	v61 =	vsel vm15, v2, v60;
	vm15 =	vcmask $0xF0C;
	_ =	sdelay $0x2  }
0x14b: {  	[tilespmem:v3+s21+$0x0] =	vst.idx.add.f32.msk $0x1, v61  }
0x14c: {  	[tilespmem:v3+s21+$0x0] =	vst.idx.add.f32.msk vm4, v61;
	vm4 =	vcmask $0x1310  }
0x14d: {  	[tilespmem:v3+s21+$0x0] =	vst.idx.add.f32.msk vm5, v61;
	vm5 =	vcmask $0x1714  }
0x14e: {  	[tilespmem:v3+s21+$0x0] =	vst.idx.add.f32.msk vm15, v61;
	vm15 =	vcmask $0x1B18;
	_ =	sdelay $0x3  }
0x14f: {  	[tilespmem:v3+s21+$0x0] =	vst.idx.add.f32.msk vm4, v61  }
0x150: {  	[tilespmem:v3+s21+$0x0] =	vst.idx.add.f32.msk vm5, v61  }
0x151: {  	[tilespmem:v3+s21+$0x0] =	vst.idx.add.f32.msk vm15, v61  }
0x152: {  	[tilespmem:v3+s21+$0x0] =	vst.idx.add.f32.msk vm6, v61  }
0x153: {  	[tilespmem:v3+s21+$0x0] =	vst.idx.add.f32.msk vm7, v61  }
0x154: {  	[tilespmem:v3+s21+$0x0] =	vst.idx.add.f32.msk vm8, v61  }
0x155: {  	[tilespmem:v3+s21+$0x0] =	vst.idx.add.f32.msk vm9, v61  }
0x156: {  	[tilespmem:v3+s21+$0x0] =	vst.idx.add.f32.msk vm10, v61  }
0x157: {  	[tilespmem:v3+s21+$0x0] =	vst.idx.add.f32.msk vm11, v61  }
0x158: {  	[tilespmem:v3+s21+$0x0] =	vst.idx.add.f32.msk vm12, v61  }
0x159: {  	[tilespmem:v3+s21+$0x0] =	vst.idx.add.f32.msk vm13, v61  }
0x15a: {  	s22 =	simm.s32 $0x400;
	s23 =	simm.s32 $0x2;
	[tilespmem:v3+s21+$0x0] =	vst.idx.add.f32.msk vm14, v61  }
0x15b: {  	[spmem:s4] =	stream.strided.scatter [tilespmem:s21], [sflag:$0x2], $0x2000, s22, s18, $0x38;
	[tilespmem:$0x15800] =	vst v63  }
0x15c: {  	_ =	swait.ge [sflag:s23], $0x2000  }
0x15d: {  	[sflag:s23] =	ssyncset.done $0x0  }
0x15e: {  	s24 =	simm.s32 $0x1000;
	[sflag:s23] =	ssyncadd.s32 $0xFFFFE000  }
0x15f: {  	s25 =	simm.s32 $0x10000;
	s26 =	simm.s32 $0x11600;
	[bflag:$0x0] =	sbarrier.arrive $0xFFFF  }
0x160: {  	[tilespmem:s26], [sflag:$0x2] =	stream.strided.gather [spmem:s3], $0x2000, s25, s24, $0x38;
	[tilespmem:$0x15800] =	vst v63  }
0x161: {  	_ =	swait.ge [sflag:s23], $0x2000  }
0x162: {  	[sflag:s23] =	ssyncset.done $0x0  }
0x163: {  	v62 =	vimm.f32 $0.0e+00;
	[sflag:s23] =	ssyncadd.s32 $0xFFFFE000  }
0x164: {  	[tilespmem:$0x13600] =	vst v62  }
0x165: {  	[tilespmem:$0x13610] =	vst v62  }
0x166: {  	[tilespmem:$0x13620] =	vst v62  }
0x167: {  	[tilespmem:$0x13630] =	vst v62  }
0x168: {  	[tilespmem:$0x13640] =	vst v62  }
0x169: {  	[tilespmem:$0x13650] =	vst v62  }
0x16a: {  	[tilespmem:$0x13660] =	vst v62  }
0x16b: {  	[tilespmem:$0x13670] =	vst v62  }
0x16c: {  	[tilespmem:$0x13680] =	vst v62  }
0x16d: {  	[tilespmem:$0x13690] =	vst v62  }
0x16e: {  	[tilespmem:$0x136A0] =	vst v62  }
0x16f: {  	[tilespmem:$0x136B0] =	vst v62  }
0x170: {  	[tilespmem:$0x136C0] =	vst v62  }
0x171: {  	[tilespmem:$0x136D0] =	vst v62  }
0x172: {  	[tilespmem:$0x136E0] =	vst v62  }
0x173: {  	[tilespmem:$0x136F0] =	vst v62  }
0x174: {  	[tilespmem:$0x13700] =	vst v62  }
0x175: {  	[tilespmem:$0x13710] =	vst v62  }
0x176: {  	[tilespmem:$0x13720] =	vst v62  }
0x177: {  	[tilespmem:$0x13730] =	vst v62  }
0x178: {  	[tilespmem:$0x13740] =	vst v62  }
0x179: {  	[tilespmem:$0x13750] =	vst v62  }
0x17a: {  	[tilespmem:$0x13760] =	vst v62  }
0x17b: {  	[tilespmem:$0x13770] =	vst v62  }
0x17c: {  	[tilespmem:$0x13780] =	vst v62  }
0x17d: {  	[tilespmem:$0x13790] =	vst v62  }
0x17e: {  	[tilespmem:$0x137A0] =	vst v62  }
0x17f: {  	[tilespmem:$0x137B0] =	vst v62  }
0x180: {  	[tilespmem:$0x137C0] =	vst v62  }
0x181: {  	[tilespmem:$0x137D0] =	vst v62  }
0x182: {  	s28 =	sand.u32 $0x70, s20;
	s29 =	sand.u32 $0xC00, s20;
	[tilespmem:$0x137E0] =	vst v62  }
0x183: {  	s4 =	sor.u32 s28, s29;
	[tilespmem:$0x137F0] =	vst v62  }
0x184: {  	s3 =	simm.s32 $0x13600;
	v0 =	vld [tilespmem:s4+$0x11600]  }
0x185: {  	v63 =	vld [tilespmem:s3+$0x0];
	_ =	sdelay $0x4  }
0x186: {  	s30 =	simm.s32 $0x10;
	s6 =	simm.s32 $0x80;
	v0 =	vadd.f32 v0, v63  }
0x187: {  	s31 =	sand.u32 $0xC00, s6;
	s5 =	sand.u32 $0x70, s30  }
0x188: {  	s8 =	simm.s32 $0x20;
	s7 =	simm.s32 $0x13600;
	s9 =	sor.u32 s5, s31;
	[tilespmem:s3+$0x0] =	vst v0  }
.LBB2_7:
0x189: {  	p0 =	sne.s32 s8, $0x1F0;
	v0 =	vld [tilespmem:s9+$0x11600];
	s7 =	sadd.s32 $0x10, s7  }
0x18a: {  	v1 =	vld [tilespmem:s7+$0x0];
	_ =	sdelay $0x2  }
.Ltmp3:
0x18b: {  	(pc) =	sbr.rel @p0 .LBB2_7-.Ltmp3, $4  }
0x18c: {  	_ = 	snop  }
0x18d: {  	s6 =	sadd.s32 $0x80, s6;
	v0 =	vadd.f32 v0, v1  }
0x18e: {  	s9 =	sand.u32 $0x70, s8;
	s10 =	sand.u32 $0xC00, s6  }
0x18f: {  	s8 =	sadd.s32 $0x10, s8;
	s9 =	sor.u32 s9, s10;
	[tilespmem:s7+$0x0] =	vst v0  }
0x190: {  	v0 =	vld [tilespmem:s9+$0x11600];
	s6 =	sadd.s32 $0x10, s7  }
0x191: {  	v1 =	vld [tilespmem:s6+$0x0];
	_ =	sdelay $0x4  }
0x192: {  	v0 =	vadd.f32 v0, v1;
	_ =	sdelay $0x1  }
0x193: {  	[tilespmem:s6+$0x0] =	vst v0  }
0x194: {  	v0 =	vld [tilespmem:s4+$0x11680]  }
0x195: {  	v63 =	vld [tilespmem:s3+$0x0];
	_ =	sdelay $0x4  }
0x196: {  	s4 =	simm.s32 $0x80;
	v0 =	vadd.f32 v0, v63  }
0x197: {  	s31 =	sand.u32 $0xC00, s4  }
0x198: {  	s6 =	sor.u32 s5, s31;
	s5 =	simm.s32 $0x20;
	[tilespmem:s3+$0x0] =	vst v0  }
.LBB2_9:
0x199: {  	p0 =	sne.s32 s5, $0x1F0;
	v0 =	vld [tilespmem:s6+$0x11680];
	s3 =	sadd.s32 $0x10, s3  }
0x19a: {  	v1 =	vld [tilespmem:s3+$0x0];
	_ =	sdelay $0x2  }
.Ltmp4:
0x19b: {  	(pc) =	sbr.rel @p0 .LBB2_9-.Ltmp4, $4  }
0x19c: {  	_ = 	snop  }
0x19d: {  	s4 =	sadd.s32 $0x80, s4;
	v0 =	vadd.f32 v0, v1  }
0x19e: {  	s6 =	sand.u32 $0x70, s5;
	s7 =	sand.u32 $0xC00, s4  }
0x19f: {  	s5 =	sadd.s32 $0x10, s5;
	s6 =	sor.u32 s6, s7;
	[tilespmem:s3+$0x0] =	vst v0  }
0x1a0: {  	v0 =	vld [tilespmem:s6+$0x11680];
	s3 =	sadd.s32 $0x10, s3  }
0x1a1: {  	v1 =	vld [tilespmem:s3+$0x0];
	_ =	sdelay $0x4  }
0x1a2: {  	s4 =	simm.s32 $0x0;
	v0 =	vadd.f32 v0, v1  }
0x1a3: {  	s5 =	sand.u32 $0x70, s4;
	s4 =	sand.u32 $0xC00, s4  }
0x1a4: {  	s4 =	sor.u32 s5, s4;
	[tilespmem:s3+$0x0] =	vst v0  }
0x1a5: {  	s3 =	simm.s32 $0x13600;
	v0 =	vld [tilespmem:s4+$0x11700]  }
0x1a6: {  	v63 =	vld [tilespmem:s3+$0x0];
	_ =	sdelay $0x4  }
0x1a7: {  	s30 =	simm.s32 $0x10;
	s4 =	simm.s32 $0x80;
	v0 =	vadd.f32 v0, v63  }
0x1a8: {  	s5 =	sand.u32 $0x70, s30;
	s31 =	sand.u32 $0xC00, s4  }
0x1a9: {  	s6 =	sor.u32 s5, s31;
	s5 =	simm.s32 $0x20;
	[tilespmem:s3+$0x0] =	vst v0  }
.LBB2_11:
0x1aa: {  	p0 =	sne.s32 s5, $0x1F0;
	v0 =	vld [tilespmem:s6+$0x11700];
	s3 =	sadd.s32 $0x10, s3  }
0x1ab: {  	v1 =	vld [tilespmem:s3+$0x0];
	_ =	sdelay $0x2  }
.Ltmp5:
0x1ac: {  	(pc) =	sbr.rel @p0 .LBB2_11-.Ltmp5, $4  }
0x1ad: {  	_ = 	snop  }
0x1ae: {  	s4 =	sadd.s32 $0x80, s4;
	v0 =	vadd.f32 v0, v1  }
0x1af: {  	s6 =	sand.u32 $0x70, s5;
	s7 =	sand.u32 $0xC00, s4  }
0x1b0: {  	s5 =	sadd.s32 $0x10, s5;
	s6 =	sor.u32 s6, s7;
	[tilespmem:s3+$0x0] =	vst v0  }
0x1b1: {  	v0 =	vld [tilespmem:s6+$0x11700];
	s3 =	sadd.s32 $0x10, s3  }
0x1b2: {  	v1 =	vld [tilespmem:s3+$0x0];
	_ =	sdelay $0x4  }
0x1b3: {  	s4 =	simm.s32 $0x0;
	v0 =	vadd.f32 v0, v1  }
0x1b4: {  	s5 =	sand.u32 $0x70, s4;
	s4 =	sand.u32 $0xC00, s4  }
0x1b5: {  	s4 =	sor.u32 s5, s4;
	[tilespmem:s3+$0x0] =	vst v0  }
0x1b6: {  	s3 =	simm.s32 $0x13600;
	v0 =	vld [tilespmem:s4+$0x11780]  }
0x1b7: {  	v63 =	vld [tilespmem:s3+$0x0];
	_ =	sdelay $0x4  }
0x1b8: {  	s30 =	simm.s32 $0x10;
	s4 =	simm.s32 $0x80;
	v0 =	vadd.f32 v0, v63  }
0x1b9: {  	s5 =	sand.u32 $0x70, s30;
	s31 =	sand.u32 $0xC00, s4  }
0x1ba: {  	s6 =	sor.u32 s5, s31;
	s5 =	simm.s32 $0x20;
	[tilespmem:s3+$0x0] =	vst v0  }
.LBB2_13:
0x1bb: {  	p0 =	sne.s32 s5, $0x1F0;
	v0 =	vld [tilespmem:s6+$0x11780];
	s3 =	sadd.s32 $0x10, s3  }
0x1bc: {  	v1 =	vld [tilespmem:s3+$0x0];
	_ =	sdelay $0x2  }
.Ltmp6:
0x1bd: {  	(pc) =	sbr.rel @p0 .LBB2_13-.Ltmp6, $4  }
0x1be: {  	_ = 	snop  }
0x1bf: {  	s4 =	sadd.s32 $0x80, s4;
	v0 =	vadd.f32 v0, v1  }
0x1c0: {  	s6 =	sand.u32 $0x70, s5;
	s7 =	sand.u32 $0xC00, s4  }
0x1c1: {  	s5 =	sadd.s32 $0x10, s5;
	s6 =	sor.u32 s6, s7;
	[tilespmem:s3+$0x0] =	vst v0  }
0x1c2: {  	v0 =	vld [tilespmem:s6+$0x11780];
	s3 =	sadd.s32 $0x10, s3  }
0x1c3: {  	v1 =	vld [tilespmem:s3+$0x0];
	_ =	sdelay $0x4  }
0x1c4: {  	s4 =	simm.s32 $0x0;
	v0 =	vadd.f32 v0, v1  }
0x1c5: {  	s5 =	sand.u32 $0x70, s4;
	s4 =	sand.u32 $0xC00, s4  }
0x1c6: {  	s4 =	sor.u32 s5, s4;
	[tilespmem:s3+$0x0] =	vst v0  }
0x1c7: {  	s3 =	simm.s32 $0x13600;
	v0 =	vld [tilespmem:s4+$0x11800]  }
0x1c8: {  	v63 =	vld [tilespmem:s3+$0x0];
	_ =	sdelay $0x4  }
0x1c9: {  	s30 =	simm.s32 $0x10;
	s4 =	simm.s32 $0x80;
	v0 =	vadd.f32 v0, v63  }
0x1ca: {  	s5 =	sand.u32 $0x70, s30;
	s31 =	sand.u32 $0xC00, s4  }
0x1cb: {  	s6 =	sor.u32 s5, s31;
	s5 =	simm.s32 $0x20;
	[tilespmem:s3+$0x0] =	vst v0  }
.LBB2_15:
0x1cc: {  	p0 =	sne.s32 s5, $0x1F0;
	v0 =	vld [tilespmem:s6+$0x11800];
	s3 =	sadd.s32 $0x10, s3  }
0x1cd: {  	v1 =	vld [tilespmem:s3+$0x0];
	_ =	sdelay $0x2  }
.Ltmp7:
0x1ce: {  	(pc) =	sbr.rel @p0 .LBB2_15-.Ltmp7, $4  }
0x1cf: {  	_ = 	snop  }
0x1d0: {  	s4 =	sadd.s32 $0x80, s4;
	v0 =	vadd.f32 v0, v1  }
0x1d1: {  	s6 =	sand.u32 $0x70, s5;
	s7 =	sand.u32 $0xC00, s4  }
0x1d2: {  	s5 =	sadd.s32 $0x10, s5;
	s6 =	sor.u32 s6, s7;
	[tilespmem:s3+$0x0] =	vst v0  }
0x1d3: {  	v0 =	vld [tilespmem:s6+$0x11800];
	s3 =	sadd.s32 $0x10, s3  }
0x1d4: {  	v1 =	vld [tilespmem:s3+$0x0];
	_ =	sdelay $0x4  }
0x1d5: {  	s4 =	simm.s32 $0x0;
	v0 =	vadd.f32 v0, v1  }
0x1d6: {  	s5 =	sand.u32 $0x70, s4;
	s4 =	sand.u32 $0xC00, s4  }
0x1d7: {  	s4 =	sor.u32 s5, s4;
	[tilespmem:s3+$0x0] =	vst v0  }
0x1d8: {  	s3 =	simm.s32 $0x13600;
	v0 =	vld [tilespmem:s4+$0x11880]  }
0x1d9: {  	v63 =	vld [tilespmem:s3+$0x0];
	_ =	sdelay $0x4  }
0x1da: {  	s30 =	simm.s32 $0x10;
	s4 =	simm.s32 $0x80;
	v0 =	vadd.f32 v0, v63  }
0x1db: {  	s5 =	sand.u32 $0x70, s30;
	s31 =	sand.u32 $0xC00, s4  }
0x1dc: {  	s6 =	sor.u32 s5, s31;
	s5 =	simm.s32 $0x20;
	[tilespmem:s3+$0x0] =	vst v0  }
.LBB2_17:
0x1dd: {  	p0 =	sne.s32 s5, $0x1F0;
	v0 =	vld [tilespmem:s6+$0x11880];
	s3 =	sadd.s32 $0x10, s3  }
0x1de: {  	v1 =	vld [tilespmem:s3+$0x0];
	_ =	sdelay $0x2  }
.Ltmp8:
0x1df: {  	(pc) =	sbr.rel @p0 .LBB2_17-.Ltmp8, $4  }
0x1e0: {  	_ = 	snop  }
0x1e1: {  	s4 =	sadd.s32 $0x80, s4;
	v0 =	vadd.f32 v0, v1  }
0x1e2: {  	s6 =	sand.u32 $0x70, s5;
	s7 =	sand.u32 $0xC00, s4  }
0x1e3: {  	s5 =	sadd.s32 $0x10, s5;
	s6 =	sor.u32 s6, s7;
	[tilespmem:s3+$0x0] =	vst v0  }
0x1e4: {  	v0 =	vld [tilespmem:s6+$0x11880];
	s3 =	sadd.s32 $0x10, s3  }
0x1e5: {  	v1 =	vld [tilespmem:s3+$0x0];
	_ =	sdelay $0x4  }
0x1e6: {  	s4 =	simm.s32 $0x0;
	v0 =	vadd.f32 v0, v1  }
0x1e7: {  	s5 =	sand.u32 $0x70, s4;
	s4 =	sand.u32 $0xC00, s4  }
0x1e8: {  	s4 =	sor.u32 s5, s4;
	[tilespmem:s3+$0x0] =	vst v0  }
0x1e9: {  	s3 =	simm.s32 $0x13600;
	v0 =	vld [tilespmem:s4+$0x11900]  }
0x1ea: {  	v63 =	vld [tilespmem:s3+$0x0];
	_ =	sdelay $0x4  }
0x1eb: {  	s30 =	simm.s32 $0x10;
	s4 =	simm.s32 $0x80;
	v0 =	vadd.f32 v0, v63  }
0x1ec: {  	s5 =	sand.u32 $0x70, s30;
	s31 =	sand.u32 $0xC00, s4  }
0x1ed: {  	s6 =	sor.u32 s5, s31;
	s5 =	simm.s32 $0x20;
	[tilespmem:s3+$0x0] =	vst v0  }
.LBB2_19:
0x1ee: {  	p0 =	sne.s32 s5, $0x1F0;
	v0 =	vld [tilespmem:s6+$0x11900];
	s3 =	sadd.s32 $0x10, s3  }
0x1ef: {  	v1 =	vld [tilespmem:s3+$0x0];
	_ =	sdelay $0x2  }
.Ltmp9:
0x1f0: {  	(pc) =	sbr.rel @p0 .LBB2_19-.Ltmp9, $4  }
0x1f1: {  	_ = 	snop  }
0x1f2: {  	s4 =	sadd.s32 $0x80, s4;
	v0 =	vadd.f32 v0, v1  }
0x1f3: {  	s6 =	sand.u32 $0x70, s5;
	s7 =	sand.u32 $0xC00, s4  }
0x1f4: {  	s5 =	sadd.s32 $0x10, s5;
	s6 =	sor.u32 s6, s7;
	[tilespmem:s3+$0x0] =	vst v0  }
0x1f5: {  	v0 =	vld [tilespmem:s6+$0x11900];
	s3 =	sadd.s32 $0x10, s3  }
0x1f6: {  	v1 =	vld [tilespmem:s3+$0x0];
	_ =	sdelay $0x4  }
0x1f7: {  	s4 =	simm.s32 $0x0;
	v0 =	vadd.f32 v0, v1  }
0x1f8: {  	s4 =	sor.u32 s4, s4  }
0x1f9: {  	s4 =	sor.u32 $0x380, s4;
	[tilespmem:s3+$0x0] =	vst v0  }
0x1fa: {  	s3 =	simm.s32 $0x13600;
	v0 =	vld [tilespmem:s4+$0x11600]  }
0x1fb: {  	v63 =	vld [tilespmem:s3+$0x0];
	_ =	sdelay $0x4  }
0x1fc: {  	s5 =	simm.s32 $0x10;
	s4 =	simm.s32 $0x80;
	v0 =	vadd.f32 v0, v63  }
0x1fd: {  	s5 =	sor.u32 s4, s5  }
0x1fe: {  	s6 =	sor.u32 $0x380, s5;
	s5 =	simm.s32 $0x20;
	[tilespmem:s3+$0x0] =	vst v0  }
.LBB2_21:
0x1ff: {  	p0 =	sne.s32 s5, $0x1F0;
	v0 =	vld [tilespmem:s6+$0x11600];
	s3 =	sadd.s32 $0x10, s3  }
0x200: {  	v1 =	vld [tilespmem:s3+$0x0];
	_ =	sdelay $0x2  }
.Ltmp10:
0x201: {  	(pc) =	sbr.rel @p0 .LBB2_21-.Ltmp10, $4  }
0x202: {  	_ = 	snop  }
0x203: {  	s4 =	sadd.s32 $0x80, s4;
	v0 =	vadd.f32 v0, v1  }
0x204: {  	s6 =	sor.u32 s4, s5  }
0x205: {  	s5 =	sadd.s32 $0x10, s5;
	s6 =	sor.u32 $0x380, s6;
	[tilespmem:s3+$0x0] =	vst v0  }
0x206: {  	v0 =	vld [tilespmem:s6+$0x11600];
	s3 =	sadd.s32 $0x10, s3  }
0x207: {  	v1 =	vld [tilespmem:s3+$0x0];
	_ =	sdelay $0x4  }
0x208: {  	s4 =	simm.s32 $0x0;
	v0 =	vadd.f32 v0, v1  }
0x209: {  	s5 =	sand.u32 $0x70, s4;
	s4 =	sand.u32 $0xC00, s4  }
0x20a: {  	s4 =	sor.u32 s5, s4;
	[tilespmem:s3+$0x0] =	vst v0  }
0x20b: {  	s3 =	simm.s32 $0x13600;
	v0 =	vld [tilespmem:s4+$0x12600]  }
0x20c: {  	v63 =	vld [tilespmem:s3+$0x0];
	_ =	sdelay $0x4  }
0x20d: {  	s30 =	simm.s32 $0x10;
	s4 =	simm.s32 $0x80;
	v0 =	vadd.f32 v0, v63  }
0x20e: {  	s5 =	sand.u32 $0x70, s30;
	s31 =	sand.u32 $0xC00, s4  }
0x20f: {  	s6 =	sor.u32 s5, s31;
	s5 =	simm.s32 $0x20;
	[tilespmem:s3+$0x0] =	vst v0  }
.LBB2_23:
0x210: {  	p0 =	sne.s32 s5, $0x1F0;
	v0 =	vld [tilespmem:s6+$0x12600];
	s3 =	sadd.s32 $0x10, s3  }
0x211: {  	v1 =	vld [tilespmem:s3+$0x0];
	_ =	sdelay $0x2  }
.Ltmp11:
0x212: {  	(pc) =	sbr.rel @p0 .LBB2_23-.Ltmp11, $4  }
0x213: {  	_ = 	snop  }
0x214: {  	s4 =	sadd.s32 $0x80, s4;
	v0 =	vadd.f32 v0, v1  }
0x215: {  	s6 =	sand.u32 $0x70, s5;
	s7 =	sand.u32 $0xC00, s4  }
0x216: {  	s5 =	sadd.s32 $0x10, s5;
	s6 =	sor.u32 s6, s7;
	[tilespmem:s3+$0x0] =	vst v0  }
0x217: {  	v0 =	vld [tilespmem:s6+$0x12600];
	s3 =	sadd.s32 $0x10, s3  }
0x218: {  	v1 =	vld [tilespmem:s3+$0x0];
	_ =	sdelay $0x4  }
0x219: {  	s4 =	simm.s32 $0x0;
	v0 =	vadd.f32 v0, v1  }
0x21a: {  	s5 =	sand.u32 $0x70, s4;
	s4 =	sand.u32 $0xC00, s4  }
0x21b: {  	s4 =	sor.u32 s5, s4;
	[tilespmem:s3+$0x0] =	vst v0  }
0x21c: {  	s3 =	simm.s32 $0x13600;
	v0 =	vld [tilespmem:s4+$0x12680]  }
0x21d: {  	v63 =	vld [tilespmem:s3+$0x0];
	_ =	sdelay $0x4  }
0x21e: {  	s30 =	simm.s32 $0x10;
	s4 =	simm.s32 $0x80;
	v0 =	vadd.f32 v0, v63  }
0x21f: {  	s5 =	sand.u32 $0x70, s30;
	s31 =	sand.u32 $0xC00, s4  }
0x220: {  	s6 =	sor.u32 s5, s31;
	s5 =	simm.s32 $0x20;
	[tilespmem:s3+$0x0] =	vst v0  }
.LBB2_25:
0x221: {  	p0 =	sne.s32 s5, $0x1F0;
	v0 =	vld [tilespmem:s6+$0x12680];
	s3 =	sadd.s32 $0x10, s3  }
0x222: {  	v1 =	vld [tilespmem:s3+$0x0];
	_ =	sdelay $0x2  }
.Ltmp12:
0x223: {  	(pc) =	sbr.rel @p0 .LBB2_25-.Ltmp12, $4  }
0x224: {  	_ = 	snop  }
0x225: {  	s4 =	sadd.s32 $0x80, s4;
	v0 =	vadd.f32 v0, v1  }
0x226: {  	s6 =	sand.u32 $0x70, s5;
	s7 =	sand.u32 $0xC00, s4  }
0x227: {  	s5 =	sadd.s32 $0x10, s5;
	s6 =	sor.u32 s6, s7;
	[tilespmem:s3+$0x0] =	vst v0  }
0x228: {  	v0 =	vld [tilespmem:s6+$0x12680];
	s3 =	sadd.s32 $0x10, s3  }
0x229: {  	v1 =	vld [tilespmem:s3+$0x0];
	_ =	sdelay $0x4  }
0x22a: {  	s4 =	simm.s32 $0x0;
	v0 =	vadd.f32 v0, v1  }
0x22b: {  	s5 =	sand.u32 $0x70, s4;
	s4 =	sand.u32 $0xC00, s4  }
0x22c: {  	s4 =	sor.u32 s5, s4;
	[tilespmem:s3+$0x0] =	vst v0  }
0x22d: {  	s3 =	simm.s32 $0x13600;
	v0 =	vld [tilespmem:s4+$0x12700]  }
0x22e: {  	v63 =	vld [tilespmem:s3+$0x0];
	_ =	sdelay $0x4  }
0x22f: {  	s30 =	simm.s32 $0x10;
	s4 =	simm.s32 $0x80;
	v0 =	vadd.f32 v0, v63  }
0x230: {  	s5 =	sand.u32 $0x70, s30;
	s31 =	sand.u32 $0xC00, s4  }
0x231: {  	s6 =	sor.u32 s5, s31;
	s5 =	simm.s32 $0x20;
	[tilespmem:s3+$0x0] =	vst v0  }
.LBB2_27:
0x232: {  	p0 =	sne.s32 s5, $0x1F0;
	v0 =	vld [tilespmem:s6+$0x12700];
	s3 =	sadd.s32 $0x10, s3  }
0x233: {  	v1 =	vld [tilespmem:s3+$0x0];
	_ =	sdelay $0x2  }
.Ltmp13:
0x234: {  	(pc) =	sbr.rel @p0 .LBB2_27-.Ltmp13, $4  }
0x235: {  	_ = 	snop  }
0x236: {  	s4 =	sadd.s32 $0x80, s4;
	v0 =	vadd.f32 v0, v1  }
0x237: {  	s6 =	sand.u32 $0x70, s5;
	s7 =	sand.u32 $0xC00, s4  }
0x238: {  	s5 =	sadd.s32 $0x10, s5;
	s6 =	sor.u32 s6, s7;
	[tilespmem:s3+$0x0] =	vst v0  }
0x239: {  	v0 =	vld [tilespmem:s6+$0x12700];
	s3 =	sadd.s32 $0x10, s3  }
0x23a: {  	v1 =	vld [tilespmem:s3+$0x0];
	_ =	sdelay $0x4  }
0x23b: {  	s4 =	simm.s32 $0x0;
	v0 =	vadd.f32 v0, v1  }
0x23c: {  	s5 =	sand.u32 $0x70, s4;
	s4 =	sand.u32 $0xC00, s4  }
0x23d: {  	s4 =	sor.u32 s5, s4;
	[tilespmem:s3+$0x0] =	vst v0  }
0x23e: {  	s3 =	simm.s32 $0x13600;
	v0 =	vld [tilespmem:s4+$0x12780]  }
0x23f: {  	v63 =	vld [tilespmem:s3+$0x0];
	_ =	sdelay $0x4  }
0x240: {  	s30 =	simm.s32 $0x10;
	s4 =	simm.s32 $0x80;
	v0 =	vadd.f32 v0, v63  }
0x241: {  	s5 =	sand.u32 $0x70, s30;
	s31 =	sand.u32 $0xC00, s4  }
0x242: {  	s6 =	sor.u32 s5, s31;
	s5 =	simm.s32 $0x20;
	[tilespmem:s3+$0x0] =	vst v0  }
.LBB2_29:
0x243: {  	p0 =	sne.s32 s5, $0x1F0;
	v0 =	vld [tilespmem:s6+$0x12780];
	s3 =	sadd.s32 $0x10, s3  }
0x244: {  	v1 =	vld [tilespmem:s3+$0x0];
	_ =	sdelay $0x2  }
.Ltmp14:
0x245: {  	(pc) =	sbr.rel @p0 .LBB2_29-.Ltmp14, $4  }
0x246: {  	_ = 	snop  }
0x247: {  	s4 =	sadd.s32 $0x80, s4;
	v0 =	vadd.f32 v0, v1  }
0x248: {  	s6 =	sand.u32 $0x70, s5;
	s7 =	sand.u32 $0xC00, s4  }
0x249: {  	s5 =	sadd.s32 $0x10, s5;
	s6 =	sor.u32 s6, s7;
	[tilespmem:s3+$0x0] =	vst v0  }
0x24a: {  	v0 =	vld [tilespmem:s6+$0x12780];
	s3 =	sadd.s32 $0x10, s3  }
0x24b: {  	v1 =	vld [tilespmem:s3+$0x0];
	_ =	sdelay $0x4  }
0x24c: {  	s4 =	simm.s32 $0x0;
	v0 =	vadd.f32 v0, v1  }
0x24d: {  	s5 =	sand.u32 $0x70, s4;
	s4 =	sand.u32 $0xC00, s4  }
0x24e: {  	s4 =	sor.u32 s5, s4;
	[tilespmem:s3+$0x0] =	vst v0  }
0x24f: {  	s3 =	simm.s32 $0x13600;
	v0 =	vld [tilespmem:s4+$0x12800]  }
0x250: {  	v63 =	vld [tilespmem:s3+$0x0];
	_ =	sdelay $0x4  }
0x251: {  	s30 =	simm.s32 $0x10;
	s4 =	simm.s32 $0x80;
	v0 =	vadd.f32 v0, v63  }
0x252: {  	s5 =	sand.u32 $0x70, s30;
	s31 =	sand.u32 $0xC00, s4  }
0x253: {  	s6 =	sor.u32 s5, s31;
	s5 =	simm.s32 $0x20;
	[tilespmem:s3+$0x0] =	vst v0  }
.LBB2_31:
0x254: {  	p0 =	sne.s32 s5, $0x1F0;
	v0 =	vld [tilespmem:s6+$0x12800];
	s3 =	sadd.s32 $0x10, s3  }
0x255: {  	v1 =	vld [tilespmem:s3+$0x0];
	_ =	sdelay $0x2  }
.Ltmp15:
0x256: {  	(pc) =	sbr.rel @p0 .LBB2_31-.Ltmp15, $4  }
0x257: {  	_ = 	snop  }
0x258: {  	s4 =	sadd.s32 $0x80, s4;
	v0 =	vadd.f32 v0, v1  }
0x259: {  	s6 =	sand.u32 $0x70, s5;
	s7 =	sand.u32 $0xC00, s4  }
0x25a: {  	s5 =	sadd.s32 $0x10, s5;
	s6 =	sor.u32 s6, s7;
	[tilespmem:s3+$0x0] =	vst v0  }
0x25b: {  	v0 =	vld [tilespmem:s6+$0x12800];
	s3 =	sadd.s32 $0x10, s3  }
0x25c: {  	v1 =	vld [tilespmem:s3+$0x0];
	_ =	sdelay $0x4  }
0x25d: {  	s4 =	simm.s32 $0x0;
	v0 =	vadd.f32 v0, v1  }
0x25e: {  	s5 =	sand.u32 $0x70, s4;
	s4 =	sand.u32 $0xC00, s4  }
0x25f: {  	s4 =	sor.u32 s5, s4;
	[tilespmem:s3+$0x0] =	vst v0  }
0x260: {  	s3 =	simm.s32 $0x13600;
	v0 =	vld [tilespmem:s4+$0x12880]  }
0x261: {  	v63 =	vld [tilespmem:s3+$0x0];
	_ =	sdelay $0x4  }
0x262: {  	s30 =	simm.s32 $0x10;
	s4 =	simm.s32 $0x80;
	v0 =	vadd.f32 v0, v63  }
0x263: {  	s5 =	sand.u32 $0x70, s30;
	s31 =	sand.u32 $0xC00, s4  }
0x264: {  	s6 =	sor.u32 s5, s31;
	s5 =	simm.s32 $0x20;
	[tilespmem:s3+$0x0] =	vst v0  }
.LBB2_33:
0x265: {  	p0 =	sne.s32 s5, $0x1F0;
	v0 =	vld [tilespmem:s6+$0x12880];
	s3 =	sadd.s32 $0x10, s3  }
0x266: {  	v1 =	vld [tilespmem:s3+$0x0];
	_ =	sdelay $0x2  }
.Ltmp16:
0x267: {  	(pc) =	sbr.rel @p0 .LBB2_33-.Ltmp16, $4  }
0x268: {  	_ = 	snop  }
0x269: {  	s4 =	sadd.s32 $0x80, s4;
	v0 =	vadd.f32 v0, v1  }
0x26a: {  	s6 =	sand.u32 $0x70, s5;
	s7 =	sand.u32 $0xC00, s4  }
0x26b: {  	s5 =	sadd.s32 $0x10, s5;
	s6 =	sor.u32 s6, s7;
	[tilespmem:s3+$0x0] =	vst v0  }
0x26c: {  	v0 =	vld [tilespmem:s6+$0x12880];
	s3 =	sadd.s32 $0x10, s3  }
0x26d: {  	v1 =	vld [tilespmem:s3+$0x0];
	_ =	sdelay $0x4  }
0x26e: {  	s4 =	simm.s32 $0x0;
	v0 =	vadd.f32 v0, v1  }
0x26f: {  	s5 =	sand.u32 $0x70, s4;
	s4 =	sand.u32 $0xC00, s4  }
0x270: {  	s4 =	sor.u32 s5, s4;
	[tilespmem:s3+$0x0] =	vst v0  }
0x271: {  	s3 =	simm.s32 $0x13600;
	v0 =	vld [tilespmem:s4+$0x12900]  }
0x272: {  	v63 =	vld [tilespmem:s3+$0x0];
	_ =	sdelay $0x4  }
0x273: {  	s30 =	simm.s32 $0x10;
	s4 =	simm.s32 $0x80;
	v0 =	vadd.f32 v0, v63  }
0x274: {  	s5 =	sand.u32 $0x70, s30;
	s31 =	sand.u32 $0xC00, s4  }
0x275: {  	s6 =	sor.u32 s5, s31;
	s5 =	simm.s32 $0x20;
	[tilespmem:s3+$0x0] =	vst v0  }
.LBB2_35:
0x276: {  	p0 =	sne.s32 s5, $0x1F0;
	v0 =	vld [tilespmem:s6+$0x12900];
	s3 =	sadd.s32 $0x10, s3  }
0x277: {  	v1 =	vld [tilespmem:s3+$0x0];
	_ =	sdelay $0x2  }
.Ltmp17:
0x278: {  	(pc) =	sbr.rel @p0 .LBB2_35-.Ltmp17, $4  }
0x279: {  	_ = 	snop  }
0x27a: {  	s4 =	sadd.s32 $0x80, s4;
	v0 =	vadd.f32 v0, v1  }
0x27b: {  	s6 =	sand.u32 $0x70, s5;
	s7 =	sand.u32 $0xC00, s4  }
0x27c: {  	s5 =	sadd.s32 $0x10, s5;
	s6 =	sor.u32 s6, s7;
	[tilespmem:s3+$0x0] =	vst v0  }
0x27d: {  	v0 =	vld [tilespmem:s6+$0x12900];
	s3 =	sadd.s32 $0x10, s3  }
0x27e: {  	v1 =	vld [tilespmem:s3+$0x0];
	_ =	sdelay $0x4  }
0x27f: {  	s4 =	simm.s32 $0x0;
	v0 =	vadd.f32 v0, v1  }
0x280: {  	s5 =	sand.u32 $0x70, s4;
	s4 =	sand.u32 $0xC00, s4  }
0x281: {  	s4 =	sor.u32 s5, s4;
	[tilespmem:s3+$0x0] =	vst v0  }
0x282: {  	s3 =	simm.s32 $0x13600;
	v0 =	vld [tilespmem:s4+$0x12980]  }
0x283: {  	v63 =	vld [tilespmem:s3+$0x0];
	_ =	sdelay $0x4  }
0x284: {  	s30 =	simm.s32 $0x10;
	s4 =	simm.s32 $0x80;
	v0 =	vadd.f32 v0, v63  }
0x285: {  	s5 =	sand.u32 $0x70, s30;
	s31 =	sand.u32 $0xC00, s4  }
0x286: {  	s6 =	sor.u32 s5, s31;
	s5 =	simm.s32 $0x20;
	[tilespmem:s3+$0x0] =	vst v0  }
.LBB2_37:
0x287: {  	p0 =	sne.s32 s5, $0x1F0;
	v0 =	vld [tilespmem:s6+$0x12980];
	s3 =	sadd.s32 $0x10, s3  }
0x288: {  	v1 =	vld [tilespmem:s3+$0x0];
	_ =	sdelay $0x2  }
.Ltmp18:
0x289: {  	(pc) =	sbr.rel @p0 .LBB2_37-.Ltmp18, $4  }
0x28a: {  	_ = 	snop  }
0x28b: {  	s4 =	sadd.s32 $0x80, s4;
	v0 =	vadd.f32 v0, v1  }
0x28c: {  	s6 =	sand.u32 $0x70, s5;
	s7 =	sand.u32 $0xC00, s4  }
0x28d: {  	s5 =	sadd.s32 $0x10, s5;
	s6 =	sor.u32 s6, s7;
	[tilespmem:s3+$0x0] =	vst v0  }
0x28e: {  	v0 =	vld [tilespmem:s6+$0x12980];
	s3 =	sadd.s32 $0x10, s3  }
0x28f: {  	v1 =	vld [tilespmem:s3+$0x0];
	_ =	sdelay $0x4  }
0x290: {  	v0 =	vadd.f32 v0, v1;
	_ =	sdelay $0x1  }
0x291: {  	s30 =	simm.s32 $0x0;
	s4 =	simm.s32 $0x13600;
	s31 =	simm.s32 $0x2;
	[tilespmem:s3+$0x0] =	vst v0  }
0x292: {  	[hbm4b:s2+s30] =	stream.linear.scatter [tilespmem:s4], [sflag:$0x2], $0x200, $0x38;
	[tilespmem:$0x15800] =	vst v63  }
0x293: {  	_ =	swait.ge [sflag:s31], $0x200  }
0x294: {  	[sflag:s31] =	ssyncset.done $0x0  }
0x295: {  	[sflag:s31] =	ssyncadd.s32 $0xFFFFFE00  }
0x296: {  	_ =	sfence.sel $0x180000  }
0x297: {  	[bflag:$0x0] =	sbarrier.arrive $0xFFFF  }
0x298: {  	p0 =	sne.s32 s1, $0x0;
	_ =	strace $0x90000047  }
0x299: {  	s0 =	sadd.s32 @!p0 $0x100000, s0;
	[bflag:$0x2] =	sbarrier.arrive $0xFFFF  }
0x29a: {  	[sflag:s0] =	ssyncadd.tile.s32 @!p0 $0x1;
	_ =	shalt  }
.Lfunc_end2:
_tile_overlayer_lowered:
.L_overlay_start_2:
0x29b: {  	(tag) =	ssettag $0x2  }
0x29c: {  	s0 =	rddreg [dreg:$0x0];
	s2 =	stileid.u32  }
0x29d: {  	s1 =	rddreg [dreg:$0x1];
	p0 =	sne.s32 s2, $0x0  }
0x29e: {  	s3 =	rddreg [dreg:$0x2];
	[bflag:$0x3] =	sbarrier.arrive $0xFFFF;
	s2 =	simm.s32 @!p0 $0x1C02  }
0x29f: {  	[timem:s3], [sflag:s2] =	dma.local @!p0 [hbm:s0], s1  }
0x2a0: {  	s0 =	simm.s32 @!p0 $0x2  }
0x2a1: {  	_ =	swait.ge @!p0 [sflag:s0], s1  }
0x2a2: {  	s1 =	ssub.s32 @!p0 $0x0, s1;
	[sflag:s0] =	ssyncset.done @!p0 $0x0  }
0x2a3: {  	[sflag:s0] =	ssyncadd.s32 @!p0 s1  }
0x2a4: {  	[bflag:$0x3] =	sbarrier.arrive $0xFFFF  }
0x2a5: {  	_ =	shalt  }

</sc_bundles>
